<compile_context>
chip_gen: v7x
topology: tpu7x:2x2x1
jax: 0.10.2.dev20260603
libtpu: 0.0.44.dev20260713+nightly
codegen_flags: <defaults>
</compile_context>

<pallas_src>
import functools

import jax
import jax.numpy as jnp
from jax import lax
from jax.experimental import pallas as pl
from jax.experimental.pallas import tpu as pltpu
from jax.experimental.pallas import tpu_sc as plsc

B = 16384
F = 26
V = 100000
E = 16
HID = 200
BF = B * F
PLANES = F * E
NW = 32
PPW = PLANES // NW
HALF = B // 2
BBLK = 1024


def _sc_emb_gather(tflat, idx_t):
    mesh = plsc.VectorSubcoreMesh(core_axis_name="c", subcore_axis_name="s")

    @functools.partial(
        pl.kernel,
        out_type=jax.ShapeDtypeStruct((PLANES, B), jnp.float32),
        mesh=mesh,
        scratch_types=[
            pltpu.VMEM((V,), jnp.float32),
            pltpu.VMEM((HALF,), jnp.int32),
            pltpu.VMEM((HALF,), jnp.float32),
            pltpu.VMEM((HALF,), jnp.float32),
            pltpu.SemaphoreType.DMA,
            pltpu.SemaphoreType.DMA,
        ],
        compiler_params=pltpu.CompilerParams(needs_layout_passes=False),
    )
    def sc_kernel(tflat_hbm, idx_hbm, out_hbm, row_v, idx_v, val0_v, val1_v,
                  sem, isem):
        wid = lax.axis_index("s") * 2 + lax.axis_index("c")
        base = wid * PPW

        def gather_half(val_v):
            @pl.loop(0, HALF, step=64)
            def _chunk(i):
                for u in range(4):
                    iv = idx_v[pl.ds(i + u * 16, 16)]
                    val_v[pl.ds(i + u * 16, 16)] = plsc.load_gather(row_v, [iv])

        @pl.loop(0, PPW)
        def _plane(p):
            r = base + p
            f = r // E
            ih = pltpu.async_copy(idx_hbm.at[f, pl.ds(0, HALF)], idx_v, isem)
            pltpu.sync_copy(tflat_hbm.at[r], row_v)
            ih.wait()

            @pl.when(p > 0)
            def _drain():
                pltpu.make_async_copy(
                    val0_v, out_hbm.at[r - 1, pl.ds(0, HALF)], sem).wait()
                pltpu.make_async_copy(
                    val1_v, out_hbm.at[r - 1, pl.ds(HALF, HALF)], sem).wait()

            gather_half(val0_v)
            pltpu.async_copy(val0_v, out_hbm.at[r, pl.ds(0, HALF)], sem)
            pltpu.sync_copy(idx_hbm.at[f, pl.ds(HALF, HALF)], idx_v)
            gather_half(val1_v)
            pltpu.async_copy(val1_v, out_hbm.at[r, pl.ds(HALF, HALF)], sem)

        last = base + PPW - 1
        pltpu.make_async_copy(
            val0_v, out_hbm.at[last, pl.ds(0, HALF)], sem).wait()
        pltpu.make_async_copy(
            val1_v, out_hbm.at[last, pl.ds(HALF, HALF)], sem).wait()

    return sc_kernel(tflat, idx_t)


def _sc_fm_gather(fm_w, idx_t):
    mesh = plsc.VectorSubcoreMesh(core_axis_name="c", subcore_axis_name="s")

    @functools.partial(
        pl.kernel,
        out_type=jax.ShapeDtypeStruct((F, B), jnp.float32),
        mesh=mesh,
        scratch_types=[
            pltpu.VMEM((V,), jnp.float32),
            pltpu.VMEM((HALF,), jnp.int32),
            pltpu.VMEM((HALF,), jnp.float32),
        ],
        compiler_params=pltpu.CompilerParams(
            use_tc_tiling_on_sc=False, needs_layout_passes=False),
    )
    def sc_kernel(fmw_hbm, idx_hbm, out_hbm, row_v, idx_v, val_v):
        wid = lax.axis_index("s") * 2 + lax.axis_index("c")

        @pl.when(wid < F)
        def _field():
            f = wid
            pltpu.sync_copy(fmw_hbm.at[f], row_v)

            @pl.loop(0, 2)
            def _half(h):
                pltpu.sync_copy(idx_hbm.at[f, pl.ds(h * HALF, HALF)], idx_v)

                @pl.loop(0, HALF, step=16)
                def _chunk(i):
                    iv = idx_v[pl.ds(i, 16)]
                    val_v[pl.ds(i, 16)] = plsc.load_gather(row_v, [iv])

                pltpu.sync_copy(val_v, out_hbm.at[f, pl.ds(h * HALF, HALF)])

    return sc_kernel(fm_w.reshape(F, V), idx_t)


def _tc_body(emb_ref, val_ref, fmv_ref, w1_ref, b1_ref, w2_ref, b2_ref,
             w3_ref, b3_ref, wd_ref, bd_ref, out_ref):
    x = emb_ref[...]
    vt = val_ref[...]
    ft = fmv_ref[...]

    first = jnp.sum(ft * vt, axis=0, keepdims=True)

    r_row = lax.broadcasted_iota(jnp.int32, (PLANES, F), 0)
    r_col = lax.broadcasted_iota(jnp.int32, (PLANES, F), 1)
    rmat = (r_row // E == r_col).astype(jnp.float32)
    vexp = jnp.dot(rmat, vt, preferred_element_type=jnp.float32)
    scaled = x * vexp

    s_row = lax.broadcasted_iota(jnp.int32, (E, PLANES), 0)
    s_col = lax.broadcasted_iota(jnp.int32, (E, PLANES), 1)
    smat = (s_col % E == s_row).astype(jnp.float32)
    ssum = jnp.dot(smat, scaled, preferred_element_type=jnp.float32)
    second = 0.5 * (jnp.sum(ssum * ssum, axis=0, keepdims=True)
                    - jnp.sum(scaled * scaled, axis=0, keepdims=True))

    h = jnp.maximum(jnp.dot(w1_ref[...], x,
                            preferred_element_type=jnp.float32) + b1_ref[...], 0.0)
    h = jnp.maximum(jnp.dot(w2_ref[...], h,
                            preferred_element_type=jnp.float32) + b2_ref[...], 0.0)
    h = jnp.maximum(jnp.dot(w3_ref[...], h,
                            preferred_element_type=jnp.float32) + b3_ref[...], 0.0)
    deep = jnp.dot(wd_ref[...], h,
                   preferred_element_type=jnp.float32) + bd_ref[...]

    out_ref[...] = jax.nn.sigmoid(first + second + deep)


def _tc_deepfm(emb_t, val_t, fmv_t, W1t, b1, W2t, b2, W3t, b3, Wdt, bd,
               interpret=False):
    nblk = B // BBLK
    col = lambda i: (0, i)
    rep = lambda i: (0, 0)
    return pl.pallas_call(
        _tc_body,
        grid=(nblk,),
        in_specs=[
            pl.BlockSpec((PLANES, BBLK), col),
            pl.BlockSpec((F, BBLK), col),
            pl.BlockSpec((F, BBLK), col),
            pl.BlockSpec((HID, PLANES), rep),
            pl.BlockSpec((HID, 1), rep),
            pl.BlockSpec((HID, HID), rep),
            pl.BlockSpec((HID, 1), rep),
            pl.BlockSpec((HID, HID), rep),
            pl.BlockSpec((HID, 1), rep),
            pl.BlockSpec((1, HID), rep),
            pl.BlockSpec((1, 1), rep),
        ],
        out_specs=pl.BlockSpec((1, BBLK), col),
        out_shape=jax.ShapeDtypeStruct((1, B), jnp.float32),
        interpret=interpret,
    )(emb_t, val_t, fmv_t, W1t, b1.reshape(HID, 1), W2t, b2.reshape(HID, 1),
      W3t, b3.reshape(HID, 1), Wdt, bd.reshape(1, 1))


def kernel(inputs_index, inputs_value, embed_tables, fm_w,
           W1, b1, W2, b2, W3, b3, Wd, bd):
    tflat = embed_tables.transpose((0, 2, 1)).reshape(PLANES, V)
    idx_t = inputs_index.T.astype(jnp.int32)
    emb_t = _sc_emb_gather(tflat, idx_t)

    idx_t_fm, _ = lax.optimization_barrier((idx_t, emb_t))
    fmv_t = _sc_fm_gather(fm_w, idx_t_fm)

    out_row = _tc_deepfm(emb_t, inputs_value.T, fmv_t,
                         W1.T, b1, W2.T, b2, W3.T, b3, Wd.T, bd)
    return out_row.reshape(B, 1)

# --- scband reference (transcript-rebuilt; emitter-appended) ---
"""Pipeline reference for scband-deep-fm-73624329388526 (READ-ONLY COPY).

The authoritative reference and input builder live on the scoring server;
editing this copy changes nothing except your own understanding.
"""

import jax, jax.numpy as jnp
import numpy as np

B = 16384
F = 26
V = 100000
E = 16
HID = 200

def setup_inputs(seed: int = 0) -> dict:
    key = jax.random.key(seed)
    ks = jax.random.split(key, 16)
    inputs_index = jax.random.randint(ks[0], (B, F), 0, V)
    inputs_value = jax.random.uniform(ks[1], (B, F), dtype=jnp.float32)
    embed_tables = jax.random.normal(ks[2], (F, V, E), dtype=jnp.float32) * 0.05
    fm_w = jax.random.normal(ks[3], (F * V, 1), dtype=jnp.float32) * 0.05
    d_in = F * E
    W1 = jax.random.normal(ks[4], (d_in, HID), dtype=jnp.float32) * (1.0 / np.sqrt(d_in))
    b1 = jnp.zeros((HID,), dtype=jnp.float32)
    W2 = jax.random.normal(ks[5], (HID, HID), dtype=jnp.float32) * (1.0 / np.sqrt(HID))
    b2 = jnp.zeros((HID,), dtype=jnp.float32)
    W3 = jax.random.normal(ks[6], (HID, HID), dtype=jnp.float32) * (1.0 / np.sqrt(HID))
    b3 = jnp.zeros((HID,), dtype=jnp.float32)
    Wd = jax.random.normal(ks[7], (HID, 1), dtype=jnp.float32) * (1.0 / np.sqrt(HID))
    bd = jnp.zeros((1,), dtype=jnp.float32)
    return {"inputs_index": inputs_index, "inputs_value": inputs_value,
            "embed_tables": embed_tables, "fm_w": fm_w,
            "W1": W1, "b1": b1, "W2": W2, "b2": b2, "W3": W3, "b3": b3,
            "Wd": Wd, "bd": bd}

def reference(inputs_index, inputs_value, embed_tables, fm_w, W1, b1, W2, b2, W3, b3, Wd, bd):
    Bc, Fc = inputs_index.shape
    Vc = embed_tables.shape[1]
    field_ids = jnp.arange(Fc)
    # per-field embedding lookup: emb[b, f, :] = embed_tables[f, idx[b, f], :]
    emb = embed_tables[field_ids[None, :], inputs_index]  # [B, F, E]
    sparse_embed = emb.reshape(Bc, -1)  # concat along last dim, [B, F*E]
    # second order inputs scaled by feature values
    second_inputs = emb * inputs_value[:, :, None]  # [B, F, E]
    # global index offset into fm first-order weight
    idx_global = inputs_index + field_ids[None, :] * Vc
    # FM first order
    first_order = jnp.sum(fm_w[idx_global, 0] * inputs_value, axis=1, keepdims=True)
    # FM second order: 0.5 * sum((sum_f e)^2 - sum_f e^2)
    square_sum = jnp.square(jnp.sum(second_inputs, axis=1))
    sum_square = jnp.sum(jnp.square(second_inputs), axis=1)
    second_order = 0.5 * jnp.sum(square_sum - sum_square, axis=1, keepdims=True)
    wide_outputs = first_order + second_order
    # DNN (dropout=0.0)
    h = jax.nn.relu(sparse_embed @ W1 + b1)
    h = jax.nn.relu(h @ W2 + b2)
    h = jax.nn.relu(h @ W3 + b3)
    deep_outputs = h @ Wd + bd
    return jax.nn.sigmoid(wide_outputs + deep_outputs)

if __name__ == "__main__":
    import jax
    _d = setup_inputs()
    print(jax.jit(kernel)(*tuple(_d.values())))

</pallas_src>

<mosaic_0001>
#map = affine_map<(d0, d1) -> (0, 0)>
module attributes {stable_mosaic.version = 14 : i64} {
  func.func @sc_kernel(%arg0: i32, %arg1: i32, %arg2: memref<26x100000xf32, #tpu.memory_space<hbm>>, %arg3: memref<26x16384xi32, #tpu.memory_space<hbm>>, %arg4: memref<26x16384xf32, #tpu.memory_space<hbm>>, %arg5: memref<100000xf32, #tpu.memory_space<vmem>>, %arg6: memref<8192xi32, #tpu.memory_space<vmem>>, %arg7: memref<8192xf32, #tpu.memory_space<vmem>>) attributes {dimension_semantics = [#tpu.dimension_semantics<core_parallel>, #tpu.dimension_semantics<subcore_parallel>], iteration_bounds = array<i64: 2, 16>, scalar_prefetch = 0 : i64, scratch_operands = 3 : i64, tpu.core_type = #tpu.core_type<sc_vector_subcore>, window_params = [{transform_indices = #map}, {transform_indices = #map}, {transform_indices = #map}]} {
    %mul3A = arith.constant 2 : i32
    %mul3A_0 = arith.muli %arg1, %mul3A : i32
    %add3A = arith.addi %mul3A_0, %arg0 : i32
    %lt3A = arith.constant 26 : i32
    %lt3A_1 = arith.cmpi slt, %add3A, %lt3A : i32
    %convert_element_type3A = arith.extui %lt3A_1 : i1 to i32
    %cond3A = arith.constant 0 : i32
    %cond3A_2 = arith.cmpi ne, %convert_element_type3A, %cond3A : i32
    scf.if %cond3A_2 {
      "tpu.region"() ({
        %run_scoped3A = tpu.sem_alloc : memref<!tpu.dma_semaphore, #tpu.memory_space<semaphore_mem>>
        %dma_start3A = arith.constant 0 : i32
        %dma_start3A_7 = tpu.memref_slice %arg2[%add3A, %dma_start3A] : memref<26x100000xf32, #tpu.memory_space<hbm>> -> memref<1x100000xf32, #tpu.memory_space<hbm>>
        %dma_start3A_8 = tpu.memref_squeeze %dma_start3A_7 : memref<1x100000xf32, #tpu.memory_space<hbm>> -> memref<100000xf32, #tpu.memory_space<hbm>>
        %dma_start3A_9 = arith.constant 0 : i32
        %dma_start3A_10 = tpu.memref_slice %arg2[%add3A, %dma_start3A_9] : memref<26x100000xf32, #tpu.memory_space<hbm>> -> memref<1x100000xf32, #tpu.memory_space<hbm>>
        %dma_start3A_11 = tpu.memref_squeeze %dma_start3A_10 : memref<1x100000xf32, #tpu.memory_space<hbm>> -> memref<100000xf32, #tpu.memory_space<hbm>>
        tpu.enqueue_dma source(%dma_start3A_11 : memref<100000xf32, #tpu.memory_space<hbm>>) target(%arg5 : memref<100000xf32, #tpu.memory_space<vmem>>) target_semaphore(%run_scoped3A : memref<!tpu.dma_semaphore, #tpu.memory_space<semaphore_mem>>)
        %dma_wait3A = arith.constant 0 : i32
        %dma_wait3A_12 = tpu.memref_slice %arg2[%add3A, %dma_wait3A] : memref<26x100000xf32, #tpu.memory_space<hbm>> -> memref<1x100000xf32, #tpu.memory_space<hbm>>
        %dma_wait3A_13 = tpu.memref_squeeze %dma_wait3A_12 : memref<1x100000xf32, #tpu.memory_space<hbm>> -> memref<100000xf32, #tpu.memory_space<hbm>>
        %dma_wait3A_14 = arith.constant 0 : i32
        %dma_wait3A_15 = tpu.memref_slice %arg2[%add3A, %dma_wait3A_14] : memref<26x100000xf32, #tpu.memory_space<hbm>> -> memref<1x100000xf32, #tpu.memory_space<hbm>>
        %dma_wait3A_16 = tpu.memref_squeeze %dma_wait3A_15 : memref<1x100000xf32, #tpu.memory_space<hbm>> -> memref<100000xf32, #tpu.memory_space<hbm>>
        tpu.wait_dma2 semaphore(%run_scoped3A : memref<!tpu.dma_semaphore, #tpu.memory_space<semaphore_mem>>) src(%dma_wait3A_16 : memref<100000xf32, #tpu.memory_space<hbm>>) dst(%arg5 : memref<100000xf32, #tpu.memory_space<vmem>>)
        tpu.yield
      }) : () -> ()
      %scan3A = arith.constant 0 : i32
      %scan3A_3 = arith.constant 2 : i32
      %scan3A_4 = arith.addi %scan3A, %scan3A_3 : i32
      %scan3A_5 = arith.constant 1 : i32
      scf.for %scan3A_7 = %scan3A to %scan3A_4 step %scan3A_5  : i32 {
        %mul3A_8 = arith.constant 1 : i32
        %mul3A_9 = arith.muli %scan3A_7, %mul3A_8 : i32
        %add3A_10 = arith.constant 0 : i32
        %add3A_11 = arith.addi %add3A_10, %mul3A_9 : i32
        %mul3A_12 = arith.constant 8192 : i32
        %mul3A_13 = arith.muli %add3A_11, %mul3A_12 : i32
        "tpu.region"() ({
          %run_scoped3A = tpu.sem_alloc : memref<!tpu.dma_semaphore, #tpu.memory_space<semaphore_mem>>
          %dma_start3A = tpu.memref_slice %arg3[%add3A, %mul3A_13] : memref<26x16384xi32, #tpu.memory_space<hbm>> -> memref<1x8192xi32, #tpu.memory_space<hbm>>
          %dma_start3A_21 = tpu.memref_squeeze %dma_start3A : memref<1x8192xi32, #tpu.memory_space<hbm>> -> memref<8192xi32, #tpu.memory_space<hbm>>
          %dma_start3A_22 = tpu.memref_slice %arg3[%add3A, %mul3A_13] : memref<26x16384xi32, #tpu.memory_space<hbm>> -> memref<1x8192xi32, #tpu.memory_space<hbm>>
          %dma_start3A_23 = tpu.memref_squeeze %dma_start3A_22 : memref<1x8192xi32, #tpu.memory_space<hbm>> -> memref<8192xi32, #tpu.memory_space<hbm>>
          tpu.enqueue_dma source(%dma_start3A_23 : memref<8192xi32, #tpu.memory_space<hbm>>) target(%arg6 : memref<8192xi32, #tpu.memory_space<vmem>>) target_semaphore(%run_scoped3A : memref<!tpu.dma_semaphore, #tpu.memory_space<semaphore_mem>>)
          %dma_wait3A = tpu.memref_slice %arg3[%add3A, %mul3A_13] : memref<26x16384xi32, #tpu.memory_space<hbm>> -> memref<1x8192xi32, #tpu.memory_space<hbm>>
          %dma_wait3A_24 = tpu.memref_squeeze %dma_wait3A : memref<1x8192xi32, #tpu.memory_space<hbm>> -> memref<8192xi32, #tpu.memory_space<hbm>>
          %dma_wait3A_25 = tpu.memref_slice %arg3[%add3A, %mul3A_13] : memref<26x16384xi32, #tpu.memory_space<hbm>> -> memref<1x8192xi32, #tpu.memory_space<hbm>>
          %dma_wait3A_26 = tpu.memref_squeeze %dma_wait3A_25 : memref<1x8192xi32, #tpu.memory_space<hbm>> -> memref<8192xi32, #tpu.memory_space<hbm>>
          tpu.wait_dma2 semaphore(%run_scoped3A : memref<!tpu.dma_semaphore, #tpu.memory_space<semaphore_mem>>) src(%dma_wait3A_26 : memref<8192xi32, #tpu.memory_space<hbm>>) dst(%arg6 : memref<8192xi32, #tpu.memory_space<vmem>>)
          tpu.yield
        }) : () -> ()
        %scan3A_14 = arith.constant 0 : i32
        %scan3A_15 = arith.constant 512 : i32
        %scan3A_16 = arith.addi %scan3A_14, %scan3A_15 : i32
        %scan3A_17 = arith.constant 1 : i32
        scf.for %scan3A_21 = %scan3A_14 to %scan3A_16 step %scan3A_17  : i32 {
          %mul3A_22 = arith.constant 16 : i32
          %mul3A_23 = arith.muli %scan3A_21, %mul3A_22 : i32
          %add3A_24 = arith.constant 0 : i32
          %add3A_25 = arith.addi %add3A_24, %mul3A_23 : i32
          %get3A = arith.index_cast %add3A_25 : i32 to index
          %get3A_26 = tpu.vector_load %arg6[%get3A] {strides = array<i32>} : memref<8192xi32, #tpu.memory_space<vmem>>, vector<16xi32>,
          %gather3A = tpu.vector_load_idx %arg5[%get3A_26] : memref<100000xf32, #tpu.memory_space<vmem>>[vector<16xi32>], vector<16xf32>,
          %swap3A = arith.index_cast %add3A_25 : i32 to index
          %swap3A_27 = tpu.vector_load %arg7[%swap3A] {strides = array<i32>} : memref<8192xf32, #tpu.memory_space<vmem>>, vector<16xf32>,
          tpu.vector_store %arg7[%swap3A], %gather3A {strides = array<i32>} : memref<8192xf32, #tpu.memory_space<vmem>>, vector<16xf32>,
        }
        %scan3A_18 = arith.constant 512 : i32
        %mul3A_19 = arith.constant 8192 : i32
        %mul3A_20 = arith.muli %add3A_11, %mul3A_19 : i32
        "tpu.region"() ({
          %run_scoped3A = tpu.sem_alloc : memref<!tpu.dma_semaphore, #tpu.memory_space<semaphore_mem>>
          %dma_start3A = tpu.memref_slice %arg4[%add3A, %mul3A_20] : memref<26x16384xf32, #tpu.memory_space<hbm>> -> memref<1x8192xf32, #tpu.memory_space<hbm>>
          %dma_start3A_21 = tpu.memref_squeeze %dma_start3A : memref<1x8192xf32, #tpu.memory_space<hbm>> -> memref<8192xf32, #tpu.memory_space<hbm>>
          %dma_start3A_22 = tpu.memref_slice %arg4[%add3A, %mul3A_20] : memref<26x16384xf32, #tpu.memory_space<hbm>> -> memref<1x8192xf32, #tpu.memory_space<hbm>>
          %dma_start3A_23 = tpu.memref_squeeze %dma_start3A_22 : memref<1x8192xf32, #tpu.memory_space<hbm>> -> memref<8192xf32, #tpu.memory_space<hbm>>
          tpu.enqueue_dma source(%arg7 : memref<8192xf32, #tpu.memory_space<vmem>>) target(%dma_start3A_23 : memref<8192xf32, #tpu.memory_space<hbm>>) target_semaphore(%run_scoped3A : memref<!tpu.dma_semaphore, #tpu.memory_space<semaphore_mem>>)
          %dma_wait3A = tpu.memref_slice %arg4[%add3A, %mul3A_20] : memref<26x16384xf32, #tpu.memory_space<hbm>> -> memref<1x8192xf32, #tpu.memory_space<hbm>>
          %dma_wait3A_24 = tpu.memref_squeeze %dma_wait3A : memref<1x8192xf32, #tpu.memory_space<hbm>> -> memref<8192xf32, #tpu.memory_space<hbm>>
          %dma_wait3A_25 = tpu.memref_slice %arg4[%add3A, %mul3A_20] : memref<26x16384xf32, #tpu.memory_space<hbm>> -> memref<1x8192xf32, #tpu.memory_space<hbm>>
          %dma_wait3A_26 = tpu.memref_squeeze %dma_wait3A_25 : memref<1x8192xf32, #tpu.memory_space<hbm>> -> memref<8192xf32, #tpu.memory_space<hbm>>
          tpu.wait_dma2 semaphore(%run_scoped3A : memref<!tpu.dma_semaphore, #tpu.memory_space<semaphore_mem>>) src(%arg7 : memref<8192xf32, #tpu.memory_space<vmem>>) dst(%dma_wait3A_26 : memref<8192xf32, #tpu.memory_space<hbm>>)
          tpu.yield
        }) : () -> ()
      }
      %scan3A_6 = arith.constant 2 : i32
    } else {
    }
    return
  }
}

#map = affine_map<(d0, d1) -> (0, 0)>
module attributes {stable_mosaic.version = 14 : i64} {
  func.func @sc_kernel(%arg0: i32, %arg1: i32, %arg2: memref<416x100000xf32, #tpu.memory_space<hbm>>, %arg3: memref<26x16384xi32, #tpu.memory_space<hbm>>, %arg4: memref<416x16384xf32, #tpu.memory_space<hbm>>, %arg5: memref<100000xf32, #tpu.memory_space<vmem>>, %arg6: memref<8192xi32, #tpu.memory_space<vmem>>, %arg7: memref<8192xf32, #tpu.memory_space<vmem>>, %arg8: memref<8192xf32, #tpu.memory_space<vmem>>, %arg9: memref<!tpu.dma_semaphore, #tpu.memory_space<semaphore_mem>>, %arg10: memref<!tpu.dma_semaphore, #tpu.memory_space<semaphore_mem>>) attributes {dimension_semantics = [#tpu.dimension_semantics<core_parallel>, #tpu.dimension_semantics<subcore_parallel>], iteration_bounds = array<i64: 2, 16>, scalar_prefetch = 0 : i64, scratch_operands = 6 : i64, tpu.core_type = #tpu.core_type<sc_vector_subcore>, window_params = [{transform_indices = #map}, {transform_indices = #map}, {transform_indices = #map}]} {
    %mul3A = arith.constant 2 : i32
    %mul3A_0 = arith.muli %arg1, %mul3A : i32
    %add3A = arith.addi %mul3A_0, %arg0 : i32
    %mul3A_1 = arith.constant 13 : i32
    %mul3A_2 = arith.muli %add3A, %mul3A_1 : i32
    %scan3A = arith.constant 0 : i32
    %scan3A_3 = arith.constant 13 : i32
    %scan3A_4 = arith.addi %scan3A, %scan3A_3 : i32
    %scan3A_5 = arith.constant 1 : i32
    scf.for %scan3A_21 = %scan3A to %scan3A_4 step %scan3A_5  : i32 {
      %mul3A_22 = arith.constant 1 : i32
      %mul3A_23 = arith.muli %scan3A_21, %mul3A_22 : i32
      %add3A_24 = arith.constant 0 : i32
      %add3A_25 = arith.addi %add3A_24, %mul3A_23 : i32
      %add3A_26 = arith.addi %mul3A_2, %add3A_25 : i32
      %jit3A = arith.constant 16 : i32
      %div3A = arith.divsi %add3A_26, %jit3A : i32
      %sign3A = arith.constant 0 : i32
      %sign3A_27 = arith.cmpi sgt, %add3A_26, %sign3A : i32
      %sign3A_28 = arith.extui %sign3A_27 : i1 to i32
      %sign3A_29 = arith.constant 0 : i32
      %sign3A_30 = arith.cmpi slt, %add3A_26, %sign3A_29 : i32
      %sign3A_31 = arith.extui %sign3A_30 : i1 to i32
      %sign3A_32 = arith.subi %sign3A_28, %sign3A_31 : i32
      %sign3A_33 = arith.constant 0 : i32
      %sign3A_34 = arith.cmpi sgt, %jit3A, %sign3A_33 : i32
      %sign3A_35 = arith.extui %sign3A_34 : i1 to i32
      %sign3A_36 = arith.constant 0 : i32
      %sign3A_37 = arith.cmpi slt, %jit3A, %sign3A_36 : i32
      %sign3A_38 = arith.extui %sign3A_37 : i1 to i32
      %sign3A_39 = arith.subi %sign3A_35, %sign3A_38 : i32
      %ne3A = arith.cmpi ne, %sign3A_32, %sign3A_39 : i32
      %rem3A = arith.remsi %add3A_26, %jit3A : i32
      %ne3A_40 = arith.constant 0 : i32
      %ne3A_41 = arith.cmpi ne, %rem3A, %ne3A_40 : i32
      %and3A = arith.andi %ne3A, %ne3A_41 : i1
      %sub3A_42 = arith.constant 1 : i32
      %sub3A_43 = arith.subi %div3A, %sub3A_42 : i32
      %select_n3A = arith.select %and3A, %sub3A_43, %div3A : i32
      %dma_start3A = arith.constant 0 : i32
      %dma_start3A_44 = tpu.memref_slice %arg3[%select_n3A, %dma_start3A] : memref<26x16384xi32, #tpu.memory_space<hbm>> -> memref<1x8192xi32, #tpu.memory_space<hbm>>
      %dma_start3A_45 = tpu.memref_squeeze %dma_start3A_44 : memref<1x8192xi32, #tpu.memory_space<hbm>> -> memref<8192xi32, #tpu.memory_space<hbm>>
      %dma_start3A_46 = arith.constant 0 : i32
      %dma_start3A_47 = tpu.memref_slice %arg3[%select_n3A, %dma_start3A_46] : memref<26x16384xi32, #tpu.memory_space<hbm>> -> memref<1x8192xi32, #tpu.memory_space<hbm>>
      %dma_start3A_48 = tpu.memref_squeeze %dma_start3A_47 : memref<1x8192xi32, #tpu.memory_space<hbm>> -> memref<8192xi32, #tpu.memory_space<hbm>>
      tpu.enqueue_dma source(%dma_start3A_48 : memref<8192xi32, #tpu.memory_space<hbm>>) target(%arg6 : memref<8192xi32, #tpu.memory_space<vmem>>) target_semaphore(%arg10 : memref<!tpu.dma_semaphore, #tpu.memory_space<semaphore_mem>>)
      "tpu.region"() ({
        %run_scoped3A = tpu.sem_alloc : memref<!tpu.dma_semaphore, #tpu.memory_space<semaphore_mem>>
        %dma_start3A_79 = arith.constant 0 : i32
        %dma_start3A_80 = tpu.memref_slice %arg2[%add3A_26, %dma_start3A_79] : memref<416x100000xf32, #tpu.memory_space<hbm>> -> memref<1x100000xf32, #tpu.memory_space<hbm>>
        %dma_start3A_81 = tpu.memref_squeeze %dma_start3A_80 : memref<1x100000xf32, #tpu.memory_space<hbm>> -> memref<100000xf32, #tpu.memory_space<hbm>>
        %dma_start3A_82 = arith.constant 0 : i32
        %dma_start3A_83 = tpu.memref_slice %arg2[%add3A_26, %dma_start3A_82] : memref<416x100000xf32, #tpu.memory_space<hbm>> -> memref<1x100000xf32, #tpu.memory_space<hbm>>
        %dma_start3A_84 = tpu.memref_squeeze %dma_start3A_83 : memref<1x100000xf32, #tpu.memory_space<hbm>> -> memref<100000xf32, #tpu.memory_space<hbm>>
        tpu.enqueue_dma source(%dma_start3A_84 : memref<100000xf32, #tpu.memory_space<hbm>>) target(%arg5 : memref<100000xf32, #tpu.memory_space<vmem>>) target_semaphore(%run_scoped3A : memref<!tpu.dma_semaphore, #tpu.memory_space<semaphore_mem>>)
        %dma_wait3A_85 = arith.constant 0 : i32
        %dma_wait3A_86 = tpu.memref_slice %arg2[%add3A_26, %dma_wait3A_85] : memref<416x100000xf32, #tpu.memory_space<hbm>> -> memref<1x100000xf32, #tpu.memory_space<hbm>>
        %dma_wait3A_87 = tpu.memref_squeeze %dma_wait3A_86 : memref<1x100000xf32, #tpu.memory_space<hbm>> -> memref<100000xf32, #tpu.memory_space<hbm>>
        %dma_wait3A_88 = arith.constant 0 : i32
        %dma_wait3A_89 = tpu.memref_slice %arg2[%add3A_26, %dma_wait3A_88] : memref<416x100000xf32, #tpu.memory_space<hbm>> -> memref<1x100000xf32, #tpu.memory_space<hbm>>
        %dma_wait3A_90 = tpu.memref_squeeze %dma_wait3A_89 : memref<1x100000xf32, #tpu.memory_space<hbm>> -> memref<100000xf32, #tpu.memory_space<hbm>>
        tpu.wait_dma2 semaphore(%run_scoped3A : memref<!tpu.dma_semaphore, #tpu.memory_space<semaphore_mem>>) src(%dma_wait3A_90 : memref<100000xf32, #tpu.memory_space<hbm>>) dst(%arg5 : memref<100000xf32, #tpu.memory_space<vmem>>)
        tpu.yield
      }) : () -> ()
      %dma_wait3A_49 = arith.constant 0 : i32
      %dma_wait3A_50 = tpu.memref_slice %arg3[%select_n3A, %dma_wait3A_49] : memref<26x16384xi32, #tpu.memory_space<hbm>> -> memref<1x8192xi32, #tpu.memory_space<hbm>>
      %dma_wait3A_51 = tpu.memref_squeeze %dma_wait3A_50 : memref<1x8192xi32, #tpu.memory_space<hbm>> -> memref<8192xi32, #tpu.memory_space<hbm>>
      %dma_wait3A_52 = arith.constant 0 : i32
      %dma_wait3A_53 = tpu.memref_slice %arg3[%select_n3A, %dma_wait3A_52] : memref<26x16384xi32, #tpu.memory_space<hbm>> -> memref<1x8192xi32, #tpu.memory_space<hbm>>
      %dma_wait3A_54 = tpu.memref_squeeze %dma_wait3A_53 : memref<1x8192xi32, #tpu.memory_space<hbm>> -> memref<8192xi32, #tpu.memory_space<hbm>>
      tpu.wait_dma2 semaphore(%arg10 : memref<!tpu.dma_semaphore, #tpu.memory_space<semaphore_mem>>) src(%dma_wait3A_54 : memref<8192xi32, #tpu.memory_space<hbm>>) dst(%arg6 : memref<8192xi32, #tpu.memory_space<vmem>>)
      %gt3A = arith.constant 0 : i32
      %gt3A_55 = arith.cmpi sgt, %add3A_25, %gt3A : i32
      %convert_element_type3A = arith.extui %gt3A_55 : i1 to i32
      %cond3A = arith.constant 0 : i32
      %cond3A_56 = arith.cmpi ne, %convert_element_type3A, %cond3A : i32
      scf.if %cond3A_56 {
        %sub3A_79 = arith.constant 1 : i32
        %sub3A_80 = arith.subi %add3A_26, %sub3A_79 : i32
        %dma_wait3A_81 = arith.constant 0 : i32
        %dma_wait3A_82 = tpu.memref_slice %arg4[%sub3A_80, %dma_wait3A_81] : memref<416x16384xf32, #tpu.memory_space<hbm>> -> memref<1x8192xf32, #tpu.memory_space<hbm>>
        %dma_wait3A_83 = tpu.memref_squeeze %dma_wait3A_82 : memref<1x8192xf32, #tpu.memory_space<hbm>> -> memref<8192xf32, #tpu.memory_space<hbm>>
        %dma_wait3A_84 = arith.constant 0 : i32
        %dma_wait3A_85 = tpu.memref_slice %arg4[%sub3A_80, %dma_wait3A_84] : memref<416x16384xf32, #tpu.memory_space<hbm>> -> memref<1x8192xf32, #tpu.memory_space<hbm>>
        %dma_wait3A_86 = tpu.memref_squeeze %dma_wait3A_85 : memref<1x8192xf32, #tpu.memory_space<hbm>> -> memref<8192xf32, #tpu.memory_space<hbm>>
        tpu.wait_dma2 semaphore(%arg9 : memref<!tpu.dma_semaphore, #tpu.memory_space<semaphore_mem>>) src(%arg7 : memref<8192xf32, #tpu.memory_space<vmem>>) dst(%dma_wait3A_86 : memref<8192xf32, #tpu.memory_space<hbm>>)
        %sub3A_87 = arith.constant 1 : i32
        %sub3A_88 = arith.subi %add3A_26, %sub3A_87 : i32
        %dma_wait3A_89 = arith.constant 8192 : i32
        %dma_wait3A_90 = tpu.memref_slice %arg4[%sub3A_88, %dma_wait3A_89] : memref<416x16384xf32, #tpu.memory_space<hbm>> -> memref<1x8192xf32, #tpu.memory_space<hbm>>
        %dma_wait3A_91 = tpu.memref_squeeze %dma_wait3A_90 : memref<1x8192xf32, #tpu.memory_space<hbm>> -> memref<8192xf32, #tpu.memory_space<hbm>>
        %dma_wait3A_92 = arith.constant 8192 : i32
        %dma_wait3A_93 = tpu.memref_slice %arg4[%sub3A_88, %dma_wait3A_92] : memref<416x16384xf32, #tpu.memory_space<hbm>> -> memref<1x8192xf32, #tpu.memory_space<hbm>>
        %dma_wait3A_94 = tpu.memref_squeeze %dma_wait3A_93 : memref<1x8192xf32, #tpu.memory_space<hbm>> -> memref<8192xf32, #tpu.memory_space<hbm>>
        tpu.wait_dma2 semaphore(%arg9 : memref<!tpu.dma_semaphore, #tpu.memory_space<semaphore_mem>>) src(%arg8 : memref<8192xf32, #tpu.memory_space<vmem>>) dst(%dma_wait3A_94 : memref<8192xf32, #tpu.memory_space<hbm>>)
      } else {
      }
      %scan3A_57 = arith.constant 0 : i32
      %scan3A_58 = arith.constant 128 : i32
      %scan3A_59 = arith.addi %scan3A_57, %scan3A_58 : i32
      %scan3A_60 = arith.constant 1 : i32
      scf.for %scan3A_79 = %scan3A_57 to %scan3A_59 step %scan3A_60  : i32 {
        %mul3A_80 = arith.constant 64 : i32
        %mul3A_81 = arith.muli %scan3A_79, %mul3A_80 : i32
        %add3A_82 = arith.constant 0 : i32
        %add3A_83 = arith.addi %add3A_82, %mul3A_81 : i32
        %add3A_84 = arith.constant 0 : i32
        %add3A_85 = arith.addi %add3A_83, %add3A_84 : i32
        %get3A = arith.index_cast %add3A_85 : i32 to index
        %get3A_86 = tpu.vector_load %arg6[%get3A] {strides = array<i32>} : memref<8192xi32, #tpu.memory_space<vmem>>, vector<16xi32>,
        %gather3A = tpu.vector_load_idx %arg5[%get3A_86] : memref<100000xf32, #tpu.memory_space<vmem>>[vector<16xi32>], vector<16xf32>,
        %add3A_87 = arith.constant 0 : i32
        %add3A_88 = arith.addi %add3A_83, %add3A_87 : i32
        %swap3A = arith.index_cast %add3A_88 : i32 to index
        %swap3A_89 = tpu.vector_load %arg7[%swap3A] {strides = array<i32>} : memref<8192xf32, #tpu.memory_space<vmem>>, vector<16xf32>,
        tpu.vector_store %arg7[%swap3A], %gather3A {strides = array<i32>} : memref<8192xf32, #tpu.memory_space<vmem>>, vector<16xf32>,
        %add3A_90 = arith.constant 16 : i32
        %add3A_91 = arith.addi %add3A_83, %add3A_90 : i32
        %get3A_92 = arith.index_cast %add3A_91 : i32 to index
        %get3A_93 = tpu.vector_load %arg6[%get3A_92] {strides = array<i32>} : memref<8192xi32, #tpu.memory_space<vmem>>, vector<16xi32>,
        %gather3A_94 = tpu.vector_load_idx %arg5[%get3A_93] : memref<100000xf32, #tpu.memory_space<vmem>>[vector<16xi32>], vector<16xf32>,
        %add3A_95 = arith.constant 16 : i32
        %add3A_96 = arith.addi %add3A_83, %add3A_95 : i32
        %swap3A_97 = arith.index_cast %add3A_96 : i32 to index
        %swap3A_98 = tpu.vector_load %arg7[%swap3A_97] {strides = array<i32>} : memref<8192xf32, #tpu.memory_space<vmem>>, vector<16xf32>,
        tpu.vector_store %arg7[%swap3A_97], %gather3A_94 {strides = array<i32>} : memref<8192xf32, #tpu.memory_space<vmem>>, vector<16xf32>,
        %add3A_99 = arith.constant 32 : i32
        %add3A_100 = arith.addi %add3A_83, %add3A_99 : i32
        %get3A_101 = arith.index_cast %add3A_100 : i32 to index
        %get3A_102 = tpu.vector_load %arg6[%get3A_101] {strides = array<i32>} : memref<8192xi32, #tpu.memory_space<vmem>>, vector<16xi32>,
        %gather3A_103 = tpu.vector_load_idx %arg5[%get3A_102] : memref<100000xf32, #tpu.memory_space<vmem>>[vector<16xi32>], vector<16xf32>,
        %add3A_104 = arith.constant 32 : i32
        %add3A_105 = arith.addi %add3A_83, %add3A_104 : i32
        %swap3A_106 = arith.index_cast %add3A_105 : i32 to index
        %swap3A_107 = tpu.vector_load %arg7[%swap3A_106] {strides = array<i32>} : memref<8192xf32, #tpu.memory_space<vmem>>, vector<16xf32>,
        tpu.vector_store %arg7[%swap3A_106], %gather3A_103 {strides = array<i32>} : memref<8192xf32, #tpu.memory_space<vmem>>, vector<16xf32>,
        %add3A_108 = arith.constant 48 : i32
        %add3A_109 = arith.addi %add3A_83, %add3A_108 : i32
        %get3A_110 = arith.index_cast %add3A_109 : i32 to index
        %get3A_111 = tpu.vector_load %arg6[%get3A_110] {strides = array<i32>} : memref<8192xi32, #tpu.memory_space<vmem>>, vector<16xi32>,
        %gather3A_112 = tpu.vector_load_idx %arg5[%get3A_111] : memref<100000xf32, #tpu.memory_space<vmem>>[vector<16xi32>], vector<16xf32>,
        %add3A_113 = arith.constant 48 : i32
        %add3A_114 = arith.addi %add3A_83, %add3A_113 : i32
        %swap3A_115 = arith.index_cast %add3A_114 : i32 to index
        %swap3A_116 = tpu.vector_load %arg7[%swap3A_115] {strides = array<i32>} : memref<8192xf32, #tpu.memory_space<vmem>>, vector<16xf32>,
        tpu.vector_store %arg7[%swap3A_115], %gather3A_112 {strides = array<i32>} : memref<8192xf32, #tpu.memory_space<vmem>>, vector<16xf32>,
      }
      %scan3A_61 = arith.constant 128 : i32
      %dma_start3A_62 = arith.constant 0 : i32
      %dma_start3A_63 = tpu.memref_slice %arg4[%add3A_26, %dma_start3A_62] : memref<416x16384xf32, #tpu.memory_space<hbm>> -> memref<1x8192xf32, #tpu.memory_space<hbm>>
      %dma_start3A_64 = tpu.memref_squeeze %dma_start3A_63 : memref<1x8192xf32, #tpu.memory_space<hbm>> -> memref<8192xf32, #tpu.memory_space<hbm>>
      %dma_start3A_65 = arith.constant 0 : i32
      %dma_start3A_66 = tpu.memref_slice %arg4[%add3A_26, %dma_start3A_65] : memref<416x16384xf32, #tpu.memory_space<hbm>> -> memref<1x8192xf32, #tpu.memory_space<hbm>>
      %dma_start3A_67 = tpu.memref_squeeze %dma_start3A_66 : memref<1x8192xf32, #tpu.memory_space<hbm>> -> memref<8192xf32, #tpu.memory_space<hbm>>
      tpu.enqueue_dma source(%arg7 : memref<8192xf32, #tpu.memory_space<vmem>>) target(%dma_start3A_67 : memref<8192xf32, #tpu.memory_space<hbm>>) target_semaphore(%arg9 : memref<!tpu.dma_semaphore, #tpu.memory_space<semaphore_mem>>)
      "tpu.region"() ({
        %run_scoped3A = tpu.sem_alloc : memref<!tpu.dma_semaphore, #tpu.memory_space<semaphore_mem>>
        %dma_start3A_79 = arith.constant 8192 : i32
        %dma_start3A_80 = tpu.memref_slice %arg3[%select_n3A, %dma_start3A_79] : memref<26x16384xi32, #tpu.memory_space<hbm>> -> memref<1x8192xi32, #tpu.memory_space<hbm>>
        %dma_start3A_81 = tpu.memref_squeeze %dma_start3A_80 : memref<1x8192xi32, #tpu.memory_space<hbm>> -> memref<8192xi32, #tpu.memory_space<hbm>>
        %dma_start3A_82 = arith.constant 8192 : i32
        %dma_start3A_83 = tpu.memref_slice %arg3[%select_n3A, %dma_start3A_82] : memref<26x16384xi32, #tpu.memory_space<hbm>> -> memref<1x8192xi32, #tpu.memory_space<hbm>>
        %dma_start3A_84 = tpu.memref_squeeze %dma_start3A_83 : memref<1x8192xi32, #tpu.memory_space<hbm>> -> memref<8192xi32, #tpu.memory_space<hbm>>
        tpu.enqueue_dma source(%dma_start3A_84 : memref<8192xi32, #tpu.memory_space<hbm>>) target(%arg6 : memref<8192xi32, #tpu.memory_space<vmem>>) target_semaphore(%run_scoped3A : memref<!tpu.dma_semaphore, #tpu.memory_space<semaphore_mem>>)
        %dma_wait3A_85 = arith.constant 8192 : i32
        %dma_wait3A_86 = tpu.memref_slice %arg3[%select_n3A, %dma_wait3A_85] : memref<26x16384xi32, #tpu.memory_space<hbm>> -> memref<1x8192xi32, #tpu.memory_space<hbm>>
        %dma_wait3A_87 = tpu.memref_squeeze %dma_wait3A_86 : memref<1x8192xi32, #tpu.memory_space<hbm>> -> memref<8192xi32, #tpu.memory_space<hbm>>
        %dma_wait3A_88 = arith.constant 8192 : i32
        %dma_wait3A_89 = tpu.memref_slice %arg3[%select_n3A, %dma_wait3A_88] : memref<26x16384xi32, #tpu.memory_space<hbm>> -> memref<1x8192xi32, #tpu.memory_space<hbm>>
        %dma_wait3A_90 = tpu.memref_squeeze %dma_wait3A_89 : memref<1x8192xi32, #tpu.memory_space<hbm>> -> memref<8192xi32, #tpu.memory_space<hbm>>
        tpu.wait_dma2 semaphore(%run_scoped3A : memref<!tpu.dma_semaphore, #tpu.memory_space<semaphore_mem>>) src(%dma_wait3A_90 : memref<8192xi32, #tpu.memory_space<hbm>>) dst(%arg6 : memref<8192xi32, #tpu.memory_space<vmem>>)
        tpu.yield
      }) : () -> ()
      %scan3A_68 = arith.constant 0 : i32
      %scan3A_69 = arith.constant 128 : i32
      %scan3A_70 = arith.addi %scan3A_68, %scan3A_69 : i32
      %scan3A_71 = arith.constant 1 : i32
      scf.for %scan3A_79 = %scan3A_68 to %scan3A_70 step %scan3A_71  : i32 {
        %mul3A_80 = arith.constant 64 : i32
        %mul3A_81 = arith.muli %scan3A_79, %mul3A_80 : i32
        %add3A_82 = arith.constant 0 : i32
        %add3A_83 = arith.addi %add3A_82, %mul3A_81 : i32
        %add3A_84 = arith.constant 0 : i32
        %add3A_85 = arith.addi %add3A_83, %add3A_84 : i32
        %get3A = arith.index_cast %add3A_85 : i32 to index
        %get3A_86 = tpu.vector_load %arg6[%get3A] {strides = array<i32>} : memref<8192xi32, #tpu.memory_space<vmem>>, vector<16xi32>,
        %gather3A = tpu.vector_load_idx %arg5[%get3A_86] : memref<100000xf32, #tpu.memory_space<vmem>>[vector<16xi32>], vector<16xf32>,
        %add3A_87 = arith.constant 0 : i32
        %add3A_88 = arith.addi %add3A_83, %add3A_87 : i32
        %swap3A = arith.index_cast %add3A_88 : i32 to index
        %swap3A_89 = tpu.vector_load %arg8[%swap3A] {strides = array<i32>} : memref<8192xf32, #tpu.memory_space<vmem>>, vector<16xf32>,
        tpu.vector_store %arg8[%swap3A], %gather3A {strides = array<i32>} : memref<8192xf32, #tpu.memory_space<vmem>>, vector<16xf32>,
        %add3A_90 = arith.constant 16 : i32
        %add3A_91 = arith.addi %add3A_83, %add3A_90 : i32
        %get3A_92 = arith.index_cast %add3A_91 : i32 to index
        %get3A_93 = tpu.vector_load %arg6[%get3A_92] {strides = array<i32>} : memref<8192xi32, #tpu.memory_space<vmem>>, vector<16xi32>,
        %gather3A_94 = tpu.vector_load_idx %arg5[%get3A_93] : memref<100000xf32, #tpu.memory_space<vmem>>[vector<16xi32>], vector<16xf32>,
        %add3A_95 = arith.constant 16 : i32
        %add3A_96 = arith.addi %add3A_83, %add3A_95 : i32
        %swap3A_97 = arith.index_cast %add3A_96 : i32 to index
        %swap3A_98 = tpu.vector_load %arg8[%swap3A_97] {strides = array<i32>} : memref<8192xf32, #tpu.memory_space<vmem>>, vector<16xf32>,
        tpu.vector_store %arg8[%swap3A_97], %gather3A_94 {strides = array<i32>} : memref<8192xf32, #tpu.memory_space<vmem>>, vector<16xf32>,
        %add3A_99 = arith.constant 32 : i32
        %add3A_100 = arith.addi %add3A_83, %add3A_99 : i32
        %get3A_101 = arith.index_cast %add3A_100 : i32 to index
        %get3A_102 = tpu.vector_load %arg6[%get3A_101] {strides = array<i32>} : memref<8192xi32, #tpu.memory_space<vmem>>, vector<16xi32>,
        %gather3A_103 = tpu.vector_load_idx %arg5[%get3A_102] : memref<100000xf32, #tpu.memory_space<vmem>>[vector<16xi32>], vector<16xf32>,
        %add3A_104 = arith.constant 32 : i32
        %add3A_105 = arith.addi %add3A_83, %add3A_104 : i32
        %swap3A_106 = arith.index_cast %add3A_105 : i32 to index
        %swap3A_107 = tpu.vector_load %arg8[%swap3A_106] {strides = array<i32>} : memref<8192xf32, #tpu.memory_space<vmem>>, vector<16xf32>,
        tpu.vector_store %arg8[%swap3A_106], %gather3A_103 {strides = array<i32>} : memref<8192xf32, #tpu.memory_space<vmem>>, vector<16xf32>,
        %add3A_108 = arith.constant 48 : i32
        %add3A_109 = arith.addi %add3A_83, %add3A_108 : i32
        %get3A_110 = arith.index_cast %add3A_109 : i32 to index
        %get3A_111 = tpu.vector_load %arg6[%get3A_110] {strides = array<i32>} : memref<8192xi32, #tpu.memory_space<vmem>>, vector<16xi32>,
        %gather3A_112 = tpu.vector_load_idx %arg5[%get3A_111] : memref<100000xf32, #tpu.memory_space<vmem>>[vector<16xi32>], vector<16xf32>,
        %add3A_113 = arith.constant 48 : i32
        %add3A_114 = arith.addi %add3A_83, %add3A_113 : i32
        %swap3A_115 = arith.index_cast %add3A_114 : i32 to index
        %swap3A_116 = tpu.vector_load %arg8[%swap3A_115] {strides = array<i32>} : memref<8192xf32, #tpu.memory_space<vmem>>, vector<16xf32>,
        tpu.vector_store %arg8[%swap3A_115], %gather3A_112 {strides = array<i32>} : memref<8192xf32, #tpu.memory_space<vmem>>, vector<16xf32>,
      }
      %scan3A_72 = arith.constant 128 : i32
      %dma_start3A_73 = arith.constant 8192 : i32
      %dma_start3A_74 = tpu.memref_slice %arg4[%add3A_26, %dma_start3A_73] : memref<416x16384xf32, #tpu.memory_space<hbm>> -> memref<1x8192xf32, #tpu.memory_space<hbm>>
      %dma_start3A_75 = tpu.memref_squeeze %dma_start3A_74 : memref<1x8192xf32, #tpu.memory_space<hbm>> -> memref<8192xf32, #tpu.memory_space<hbm>>
      %dma_start3A_76 = arith.constant 8192 : i32
      %dma_start3A_77 = tpu.memref_slice %arg4[%add3A_26, %dma_start3A_76] : memref<416x16384xf32, #tpu.memory_space<hbm>> -> memref<1x8192xf32, #tpu.memory_space<hbm>>
      %dma_start3A_78 = tpu.memref_squeeze %dma_start3A_77 : memref<1x8192xf32, #tpu.memory_space<hbm>> -> memref<8192xf32, #tpu.memory_space<hbm>>
      tpu.enqueue_dma source(%arg8 : memref<8192xf32, #tpu.memory_space<vmem>>) target(%dma_start3A_78 : memref<8192xf32, #tpu.memory_space<hbm>>) target_semaphore(%arg9 : memref<!tpu.dma_semaphore, #tpu.memory_space<semaphore_mem>>)
    }
    %scan3A_6 = arith.constant 13 : i32
    %add3A_7 = arith.constant 13 : i32
    %add3A_8 = arith.addi %mul3A_2, %add3A_7 : i32
    %sub3A = arith.constant 1 : i32
    %sub3A_9 = arith.subi %add3A_8, %sub3A : i32
    %dma_wait3A = arith.constant 0 : i32
    %dma_wait3A_10 = tpu.memref_slice %arg4[%sub3A_9, %dma_wait3A] : memref<416x16384xf32, #tpu.memory_space<hbm>> -> memref<1x8192xf32, #tpu.memory_space<hbm>>
    %dma_wait3A_11 = tpu.memref_squeeze %dma_wait3A_10 : memref<1x8192xf32, #tpu.memory_space<hbm>> -> memref<8192xf32, #tpu.memory_space<hbm>>
    %dma_wait3A_12 = arith.constant 0 : i32
    %dma_wait3A_13 = tpu.memref_slice %arg4[%sub3A_9, %dma_wait3A_12] : memref<416x16384xf32, #tpu.memory_space<hbm>> -> memref<1x8192xf32, #tpu.memory_space<hbm>>
    %dma_wait3A_14 = tpu.memref_squeeze %dma_wait3A_13 : memref<1x8192xf32, #tpu.memory_space<hbm>> -> memref<8192xf32, #tpu.memory_space<hbm>>
    tpu.wait_dma2 semaphore(%arg9 : memref<!tpu.dma_semaphore, #tpu.memory_space<semaphore_mem>>) src(%arg7 : memref<8192xf32, #tpu.memory_space<vmem>>) dst(%dma_wait3A_14 : memref<8192xf32, #tpu.memory_space<hbm>>)
    %dma_wait3A_15 = arith.constant 8192 : i32
    %dma_wait3A_16 = tpu.memref_slice %arg4[%sub3A_9, %dma_wait3A_15] : memref<416x16384xf32, #tpu.memory_space<hbm>> -> memref<1x8192xf32, #tpu.memory_space<hbm>>
    %dma_wait3A_17 = tpu.memref_squeeze %dma_wait3A_16 : memref<1x8192xf32, #tpu.memory_space<hbm>> -> memref<8192xf32, #tpu.memory_space<hbm>>
    %dma_wait3A_18 = arith.constant 8192 : i32
    %dma_wait3A_19 = tpu.memref_slice %arg4[%sub3A_9, %dma_wait3A_18] : memref<416x16384xf32, #tpu.memory_space<hbm>> -> memref<1x8192xf32, #tpu.memory_space<hbm>>
    %dma_wait3A_20 = tpu.memref_squeeze %dma_wait3A_19 : memref<1x8192xf32, #tpu.memory_space<hbm>> -> memref<8192xf32, #tpu.memory_space<hbm>>
    tpu.wait_dma2 semaphore(%arg9 : memref<!tpu.dma_semaphore, #tpu.memory_space<semaphore_mem>>) src(%arg8 : memref<8192xf32, #tpu.memory_space<vmem>>) dst(%dma_wait3A_20 : memref<8192xf32, #tpu.memory_space<hbm>>)
    return
  }
}

module attributes {stable_mosaic.version = 14 : i64} {
  func.func @_tc_body(%arg0: i32, %arg1: memref<416x1024xf32, #tpu.memory_space<vmem>>, %arg2: memref<26x1024xf32, #tpu.memory_space<vmem>>, %arg3: memref<26x1024xf32, #tpu.memory_space<vmem>>, %arg4: memref<200x416xf32, #tpu.memory_space<vmem>>, %arg5: memref<200x1xf32, #tpu.memory_space<vmem>>, %arg6: memref<200x200xf32, #tpu.memory_space<vmem>>, %arg7: memref<200x1xf32, #tpu.memory_space<vmem>>, %arg8: memref<200x200xf32, #tpu.memory_space<vmem>>, %arg9: memref<200x1xf32, #tpu.memory_space<vmem>>, %arg10: memref<1x200xf32, #tpu.memory_space<vmem>>, %arg11: memref<1x1xf32, #tpu.memory_space<vmem>>, %arg12: memref<1x1024xf32, #tpu.memory_space<vmem>>) attributes {dimension_semantics = [#tpu.dimension_semantics<arbitrary>], iteration_bounds = array<i64: 16>, scalar_prefetch = 0 : i64, scratch_operands = 0 : i64, tpu.core_type = #tpu.core_type<tc>, window_params = [{transform_indices = @transform_0, window_bounds = array<i64: 416, 1024>}, {transform_indices = @transform_1, window_bounds = array<i64: 26, 1024>}, {transform_indices = @transform_2, window_bounds = array<i64: 26, 1024>}, {pipeline_mode = #tpu.pipeline_mode<synchronous>, transform_indices = @transform_3, window_bounds = array<i64: 200, 416>}, {pipeline_mode = #tpu.pipeline_mode<synchronous>, transform_indices = @transform_4, window_bounds = array<i64: 200, 1>}, {pipeline_mode = #tpu.pipeline_mode<synchronous>, transform_indices = @transform_5, window_bounds = array<i64: 200, 200>}, {pipeline_mode = #tpu.pipeline_mode<synchronous>, transform_indices = @transform_6, window_bounds = array<i64: 200, 1>}, {pipeline_mode = #tpu.pipeline_mode<synchronous>, transform_indices = @transform_7, window_bounds = array<i64: 200, 200>}, {pipeline_mode = #tpu.pipeline_mode<synchronous>, transform_indices = @transform_8, window_bounds = array<i64: 200, 1>}, {pipeline_mode = #tpu.pipeline_mode<synchronous>, transform_indices = @transform_9, window_bounds = array<i64: 1, 200>}, {pipeline_mode = #tpu.pipeline_mode<synchronous>, transform_indices = @transform_10, window_bounds = array<i64: 1, 1>}, {transform_indices = @transform_11, window_bounds = array<i64: 1, 1024>}]} {
    %get3A = arith.constant 0 : index
    %get3A_0 = arith.constant 0 : index
    %get3A_1 = vector.load %arg1[%get3A, %get3A_0] : memref<416x1024xf32, #tpu.memory_space<vmem>>, vector<416x1024xf32>
    %get3A_2 = arith.constant 0 : index
    %get3A_3 = arith.constant 0 : index
    %get3A_4 = vector.load %arg2[%get3A_2, %get3A_3] : memref<26x1024xf32, #tpu.memory_space<vmem>>, vector<26x1024xf32>
    %get3A_5 = arith.constant 0 : index
    %get3A_6 = arith.constant 0 : index
    %get3A_7 = vector.load %arg3[%get3A_5, %get3A_6] : memref<26x1024xf32, #tpu.memory_space<vmem>>, vector<26x1024xf32>
    %mul3A = arith.mulf %get3A_7, %get3A_4 : vector<26x1024xf32>
    %reduce_sum3A = arith.constant dense<0.000000e+00> : vector<1024xf32>
    %reduce_sum3A_8 = vector.multi_reduction <add>, %mul3A, %reduce_sum3A [0] : vector<26x1024xf32> to vector<1024xf32>
    %broadcast_in_dim3A = vector.shape_cast %reduce_sum3A_8 : vector<1024xf32> to vector<1x1024xf32>
    %iota3A = tpu.iota {dimensions = array<i32: 0>} : vector<416x26xi32>
    %iota3A_9 = tpu.iota {dimensions = array<i32: 1>} : vector<416x26xi32>
    %jit3A = arith.constant 16 : i32
    %div3A = vector.broadcast %jit3A : i32 to vector<416x26xi32>
    %div3A_10 = arith.divsi %iota3A, %div3A : vector<416x26xi32>
    %sign3A = arith.constant 0 : i32
    %sign3A_11 = vector.broadcast %sign3A : i32 to vector<416x26xi32>
    %sign3A_12 = arith.cmpi sgt, %iota3A, %sign3A_11 : vector<416x26xi32>
    %sign3A_13 = arith.extui %sign3A_12 : vector<416x26xi1> to vector<416x26xi32>
    %sign3A_14 = arith.constant 0 : i32
    %sign3A_15 = vector.broadcast %sign3A_14 : i32 to vector<416x26xi32>
    %sign3A_16 = arith.cmpi slt, %iota3A, %sign3A_15 : vector<416x26xi32>
    %sign3A_17 = arith.extui %sign3A_16 : vector<416x26xi1> to vector<416x26xi32>
    %sign3A_18 = arith.subi %sign3A_13, %sign3A_17 : vector<416x26xi32>
    %sign3A_19 = arith.constant 0 : i32
    %sign3A_20 = arith.cmpi sgt, %jit3A, %sign3A_19 : i32
    %sign3A_21 = arith.extui %sign3A_20 : i1 to i32
    %sign3A_22 = arith.constant 0 : i32
    %sign3A_23 = arith.cmpi slt, %jit3A, %sign3A_22 : i32
    %sign3A_24 = arith.extui %sign3A_23 : i1 to i32
    %sign3A_25 = arith.subi %sign3A_21, %sign3A_24 : i32
    %ne3A = vector.broadcast %sign3A_25 : i32 to vector<416x26xi32>
    %ne3A_26 = arith.cmpi ne, %sign3A_18, %ne3A : vector<416x26xi32>
    %rem3A = vector.broadcast %jit3A : i32 to vector<416x26xi32>
    %rem3A_27 = arith.remsi %iota3A, %rem3A : vector<416x26xi32>
    %ne3A_28 = arith.constant 0 : i32
    %ne3A_29 = vector.broadcast %ne3A_28 : i32 to vector<416x26xi32>
    %ne3A_30 = arith.cmpi ne, %rem3A_27, %ne3A_29 : vector<416x26xi32>
    %and3A = arith.andi %ne3A_26, %ne3A_30 : vector<416x26xi1>
    %sub3A = arith.constant 1 : i32
    %sub3A_31 = vector.broadcast %sub3A : i32 to vector<416x26xi32>
    %sub3A_32 = arith.subi %div3A_10, %sub3A_31 : vector<416x26xi32>
    %select_n3A = arith.select %and3A, %sub3A_32, %div3A_10 : vector<416x26xi1>, vector<416x26xi32>
    %eq3A = arith.cmpi eq, %select_n3A, %iota3A_9 : vector<416x26xi32>
    %convert_element_type3A = arith.extui %eq3A : vector<416x26xi1> to vector<416x26xi32>
    %convert_element_type3A_33 = arith.sitofp %convert_element_type3A : vector<416x26xi32> to vector<416x26xf32>
    %dot_general3A = arith.constant dense<0.000000e+00> : vector<416x1024xf32>
    %dot_general3A_34 = tpu.matmul %convert_element_type3A_33, %get3A_4, %dot_general3A {dimension_numbers = #tpu.dot_dimension_numbers<[1], [0], [0], [1], [0, 0, 1, 1], [], []>, transpose_lhs_hint = false} : vector<416x26xf32>, vector<26x1024xf32>, vector<416x1024xf32> -> vector<416x1024xf32>
    %mul3A_35 = arith.mulf %get3A_1, %dot_general3A_34 : vector<416x1024xf32>
    %iota3A_36 = tpu.iota {dimensions = array<i32: 0>} : vector<16x416xi32>
    %iota3A_37 = tpu.iota {dimensions = array<i32: 1>} : vector<16x416xi32>
    %jit3A_38 = arith.constant 16 : i32
    %eq3A_39 = arith.constant 0 : i32
    %eq3A_40 = arith.cmpi eq, %jit3A_38, %eq3A_39 : i32
    %jit3A_41 = arith.constant 1 : i32
    %select_n3A_42 = arith.select %eq3A_40, %jit3A_41, %jit3A_38 : i32
    %rem3A_43 = vector.broadcast %select_n3A_42 : i32 to vector<16x416xi32>
    %rem3A_44 = arith.remsi %iota3A_37, %rem3A_43 : vector<16x416xi32>
    %ne3A_45 = arith.constant 0 : i32
    %ne3A_46 = vector.broadcast %ne3A_45 : i32 to vector<16x416xi32>
    %ne3A_47 = arith.cmpi ne, %rem3A_44, %ne3A_46 : vector<16x416xi32>
    %lt3A = arith.constant 0 : i32
    %lt3A_48 = vector.broadcast %lt3A : i32 to vector<16x416xi32>
    %lt3A_49 = arith.cmpi slt, %rem3A_44, %lt3A_48 : vector<16x416xi32>
    %lt3A_50 = arith.constant 0 : i32
    %lt3A_51 = arith.cmpi slt, %select_n3A_42, %lt3A_50 : i32
    %ne3A_52 = vector.broadcast %lt3A_51 : i1 to vector<16x416xi1>
    %ne3A_53 = vector.broadcast %ne3A_52 : vector<16x416xi1> to vector<16x416xi1>
    %ne3A_54 = arith.xori %lt3A_49, %ne3A_53 : vector<16x416xi1>
    %and3A_55 = arith.andi %ne3A_54, %ne3A_47 : vector<16x416xi1>
    %add3A = vector.broadcast %select_n3A_42 : i32 to vector<16x416xi32>
    %add3A_56 = arith.addi %rem3A_44, %add3A : vector<16x416xi32>
    %select_n3A_57 = arith.select %and3A_55, %add3A_56, %rem3A_44 : vector<16x416xi1>, vector<16x416xi32>
    %eq3A_58 = arith.cmpi eq, %select_n3A_57, %iota3A_36 : vector<16x416xi32>
    %convert_element_type3A_59 = arith.extui %eq3A_58 : vector<16x416xi1> to vector<16x416xi32>
    %convert_element_type3A_60 = arith.sitofp %convert_element_type3A_59 : vector<16x416xi32> to vector<16x416xf32>
    %dot_general3A_61 = arith.constant dense<0.000000e+00> : vector<16x1024xf32>
    %dot_general3A_62 = tpu.matmul %convert_element_type3A_60, %mul3A_35, %dot_general3A_61 {dimension_numbers = #tpu.dot_dimension_numbers<[1], [0], [0], [1], [0, 0, 1, 1], [], []>, transpose_lhs_hint = false} : vector<16x416xf32>, vector<416x1024xf32>, vector<16x1024xf32> -> vector<16x1024xf32>
    %mul3A_63 = arith.mulf %dot_general3A_62, %dot_general3A_62 : vector<16x1024xf32>
    %reduce_sum3A_64 = arith.constant dense<0.000000e+00> : vector<1024xf32>
    %reduce_sum3A_65 = vector.multi_reduction <add>, %mul3A_63, %reduce_sum3A_64 [0] : vector<16x1024xf32> to vector<1024xf32>
    %broadcast_in_dim3A_66 = vector.shape_cast %reduce_sum3A_65 : vector<1024xf32> to vector<1x1024xf32>
    %mul3A_67 = arith.mulf %mul3A_35, %mul3A_35 : vector<416x1024xf32>
    %reduce_sum3A_68 = arith.constant dense<0.000000e+00> : vector<1024xf32>
    %reduce_sum3A_69 = vector.multi_reduction <add>, %mul3A_67, %reduce_sum3A_68 [0] : vector<416x1024xf32> to vector<1024xf32>
    %broadcast_in_dim3A_70 = vector.shape_cast %reduce_sum3A_69 : vector<1024xf32> to vector<1x1024xf32>
    %sub3A_71 = arith.subf %broadcast_in_dim3A_66, %broadcast_in_dim3A_70 : vector<1x1024xf32>
    %mul3A_72 = arith.constant 5.000000e-01 : f32
    %mul3A_73 = vector.broadcast %mul3A_72 : f32 to vector<1x1024xf32>
    %mul3A_74 = arith.mulf %mul3A_73, %sub3A_71 : vector<1x1024xf32>
    %get3A_75 = arith.constant 0 : index
    %get3A_76 = arith.constant 0 : index
    %get3A_77 = vector.load %arg4[%get3A_75, %get3A_76] : memref<200x416xf32, #tpu.memory_space<vmem>>, vector<200x416xf32>
    %dot_general3A_78 = arith.constant dense<0.000000e+00> : vector<200x1024xf32>
    %dot_general3A_79 = tpu.matmul %get3A_77, %get3A_1, %dot_general3A_78 {dimension_numbers = #tpu.dot_dimension_numbers<[1], [0], [0], [1], [0, 0, 1, 1], [], []>, transpose_lhs_hint = false} : vector<200x416xf32>, vector<416x1024xf32>, vector<200x1024xf32> -> vector<200x1024xf32>
    %get3A_80 = arith.constant 0 : index
    %get3A_81 = arith.constant 0 : index
    %get3A_82 = vector.load %arg5[%get3A_80, %get3A_81] : memref<200x1xf32, #tpu.memory_space<vmem>>, vector<200x1xf32>
    %add3A_83 = vector.broadcast %get3A_82 : vector<200x1xf32> to vector<200x1024xf32>
    %add3A_84 = arith.addf %dot_general3A_79, %add3A_83 : vector<200x1024xf32>
    %max3A = arith.constant 0.000000e+00 : f32
    %max3A_85 = vector.broadcast %max3A : f32 to vector<200x1024xf32>
    %max3A_86 = arith.maximumf %add3A_84, %max3A_85 : vector<200x1024xf32>
    %get3A_87 = arith.constant 0 : index
    %get3A_88 = arith.constant 0 : index
    %get3A_89 = vector.load %arg6[%get3A_87, %get3A_88] : memref<200x200xf32, #tpu.memory_space<vmem>>, vector<200x200xf32>
    %dot_general3A_90 = arith.constant dense<0.000000e+00> : vector<200x1024xf32>
    %dot_general3A_91 = tpu.matmul %get3A_89, %max3A_86, %dot_general3A_90 {dimension_numbers = #tpu.dot_dimension_numbers<[1], [0], [0], [1], [0, 0, 1, 1], [], []>, transpose_lhs_hint = false} : vector<200x200xf32>, vector<200x1024xf32>, vector<200x1024xf32> -> vector<200x1024xf32>
    %get3A_92 = arith.constant 0 : index
    %get3A_93 = arith.constant 0 : index
    %get3A_94 = vector.load %arg7[%get3A_92, %get3A_93] : memref<200x1xf32, #tpu.memory_space<vmem>>, vector<200x1xf32>
    %add3A_95 = vector.broadcast %get3A_94 : vector<200x1xf32> to vector<200x1024xf32>
    %add3A_96 = arith.addf %dot_general3A_91, %add3A_95 : vector<200x1024xf32>
    %max3A_97 = arith.constant 0.000000e+00 : f32
    %max3A_98 = vector.broadcast %max3A_97 : f32 to vector<200x1024xf32>
    %max3A_99 = arith.maximumf %add3A_96, %max3A_98 : vector<200x1024xf32>
    %get3A_100 = arith.constant 0 : index
    %get3A_101 = arith.constant 0 : index
    %get3A_102 = vector.load %arg8[%get3A_100, %get3A_101] : memref<200x200xf32, #tpu.memory_space<vmem>>, vector<200x200xf32>
    %dot_general3A_103 = arith.constant dense<0.000000e+00> : vector<200x1024xf32>
    %dot_general3A_104 = tpu.matmul %get3A_102, %max3A_99, %dot_general3A_103 {dimension_numbers = #tpu.dot_dimension_numbers<[1], [0], [0], [1], [0, 0, 1, 1], [], []>, transpose_lhs_hint = false} : vector<200x200xf32>, vector<200x1024xf32>, vector<200x1024xf32> -> vector<200x1024xf32>
    %get3A_105 = arith.constant 0 : index
    %get3A_106 = arith.constant 0 : index
    %get3A_107 = vector.load %arg9[%get3A_105, %get3A_106] : memref<200x1xf32, #tpu.memory_space<vmem>>, vector<200x1xf32>
    %add3A_108 = vector.broadcast %get3A_107 : vector<200x1xf32> to vector<200x1024xf32>
    %add3A_109 = arith.addf %dot_general3A_104, %add3A_108 : vector<200x1024xf32>
    %max3A_110 = arith.constant 0.000000e+00 : f32
    %max3A_111 = vector.broadcast %max3A_110 : f32 to vector<200x1024xf32>
    %max3A_112 = arith.maximumf %add3A_109, %max3A_111 : vector<200x1024xf32>
    %get3A_113 = arith.constant 0 : index
    %get3A_114 = arith.constant 0 : index
    %get3A_115 = vector.load %arg10[%get3A_113, %get3A_114] : memref<1x200xf32, #tpu.memory_space<vmem>>, vector<1x200xf32>
    %dot_general3A_116 = arith.constant dense<0.000000e+00> : vector<1x1024xf32>
    %dot_general3A_117 = tpu.matmul %get3A_115, %max3A_112, %dot_general3A_116 {dimension_numbers = #tpu.dot_dimension_numbers<[1], [0], [0], [1], [0, 0, 1, 1], [], []>, transpose_lhs_hint = false} : vector<1x200xf32>, vector<200x1024xf32>, vector<1x1024xf32> -> vector<1x1024xf32>
    %get3A_118 = arith.constant 0 : index
    %get3A_119 = arith.constant 0 : index
    %get3A_120 = vector.load %arg11[%get3A_118, %get3A_119] : memref<1x1xf32, #tpu.memory_space<vmem>>, vector<1x1xf32>
    %add3A_121 = vector.broadcast %get3A_120 : vector<1x1xf32> to vector<1x1024xf32>
    %add3A_122 = arith.addf %dot_general3A_117, %add3A_121 : vector<1x1024xf32>
    %add3A_123 = arith.addf %broadcast_in_dim3A, %mul3A_74 : vector<1x1024xf32>
    %add3A_124 = arith.addf %add3A_123, %add3A_122 : vector<1x1024xf32>
    %logistic3A = arith.negf %add3A_124 : vector<1x1024xf32>
    %logistic3A_125 = math.exp %logistic3A : vector<1x1024xf32>
    %logistic3A_126 = arith.constant 1.000000e+00 : f32
    %logistic3A_127 = vector.broadcast %logistic3A_126 : f32 to vector<1x1024xf32>
    %logistic3A_128 = arith.addf %logistic3A_127, %logistic3A_125 : vector<1x1024xf32>
    %logistic3A_129 = arith.divf %logistic3A_127, %logistic3A_128 : vector<1x1024xf32>
    %swap3A = arith.constant 0 : index
    %swap3A_130 = arith.constant 0 : index
    %swap3A_131 = vector.load %arg12[%swap3A, %swap3A_130] : memref<1x1024xf32, #tpu.memory_space<vmem>>, vector<1x1024xf32>
    tpu.vector_store %arg12[%swap3A, %swap3A_130], %logistic3A_129 {strides = array<i32>} : memref<1x1024xf32, #tpu.memory_space<vmem>>, vector<1x1024xf32>,
    return
  }
  func.func @transform_0(%arg0: i32) -> (i32, i32) {
    %c0_i32 = arith.constant 0 : i32
    %c0_i32_0 = arith.constant 0 : i32
    return %c0_i32, %arg0 : i32, i32
  }
  func.func @transform_1(%arg0: i32) -> (i32, i32) {
    %c0_i32 = arith.constant 0 : i32
    %c0_i32_0 = arith.constant 0 : i32
    return %c0_i32, %arg0 : i32, i32
  }
  func.func @transform_2(%arg0: i32) -> (i32, i32) {
    %c0_i32 = arith.constant 0 : i32
    %c0_i32_0 = arith.constant 0 : i32
    return %c0_i32, %arg0 : i32, i32
  }
  func.func @transform_3(%arg0: i32) -> (i32, i32) {
    %c0_i32 = arith.constant 0 : i32
    %c0_i32_0 = arith.constant 0 : i32
    %c0_i32_1 = arith.constant 0 : i32
    return %c0_i32, %c0_i32_0 : i32, i32
  }
  func.func @transform_4(%arg0: i32) -> (i32, i32) {
    %c0_i32 = arith.constant 0 : i32
    %c0_i32_0 = arith.constant 0 : i32
    %c0_i32_1 = arith.constant 0 : i32
    return %c0_i32, %c0_i32_0 : i32, i32
  }
  func.func @transform_5(%arg0: i32) -> (i32, i32) {
    %c0_i32 = arith.constant 0 : i32
    %c0_i32_0 = arith.constant 0 : i32
    %c0_i32_1 = arith.constant 0 : i32
    return %c0_i32, %c0_i32_0 : i32, i32
  }
  func.func @transform_6(%arg0: i32) -> (i32, i32) {
    %c0_i32 = arith.constant 0 : i32
    %c0_i32_0 = arith.constant 0 : i32
    %c0_i32_1 = arith.constant 0 : i32
    return %c0_i32, %c0_i32_0 : i32, i32
  }
  func.func @transform_7(%arg0: i32) -> (i32, i32) {
    %c0_i32 = arith.constant 0 : i32
    %c0_i32_0 = arith.constant 0 : i32
    %c0_i32_1 = arith.constant 0 : i32
    return %c0_i32, %c0_i32_0 : i32, i32
  }
  func.func @transform_8(%arg0: i32) -> (i32, i32) {
    %c0_i32 = arith.constant 0 : i32
    %c0_i32_0 = arith.constant 0 : i32
    %c0_i32_1 = arith.constant 0 : i32
    return %c0_i32, %c0_i32_0 : i32, i32
  }
  func.func @transform_9(%arg0: i32) -> (i32, i32) {
    %c0_i32 = arith.constant 0 : i32
    %c0_i32_0 = arith.constant 0 : i32
    %c0_i32_1 = arith.constant 0 : i32
    return %c0_i32, %c0_i32_0 : i32, i32
  }
  func.func @transform_10(%arg0: i32) -> (i32, i32) {
    %c0_i32 = arith.constant 0 : i32
    %c0_i32_0 = arith.constant 0 : i32
    %c0_i32_1 = arith.constant 0 : i32
    return %c0_i32, %c0_i32_0 : i32, i32
  }
  func.func @transform_11(%arg0: i32) -> (i32, i32) {
    %c0_i32 = arith.constant 0 : i32
    %c0_i32_0 = arith.constant 0 : i32
    return %c0_i32, %arg0 : i32, i32
  }
}

</mosaic_0001>

<sc_bundles>
// kernel: kernel.5.cloned.1.call-start
scs
__scs_entry_jumppad:
0x0: {  	(pc) =	sbr.rel $0x88, $3  }
0x1: {  	(tag) =	ssettag $0x0;
	lr =	simm.s32 $0x1  }
0x2: {  	[smem:$0x3F95] =	sst lr;
	_ =	strace $0xD0000000  }
0x3: {  	_ = 	snop  }
0x4: {  	_ = 	snop  }
0x5: {  	_ = 	snop  }
0x6: {  	_ = 	snop  }
0x7: {  	_ = 	snop  }
__scs_overlays_trampoline_lowered:
0x8: {  	[smem:$0x3FA4] =	sst s0  }
0x9: {  	[smem:$0x3FA5] =	sst s1  }
0xa: {  	[smem:$0x3FA6] =	sst s2  }
0xb: {  	[smem:$0x3FA7] =	sst s3  }
0xc: {  	[smem:$0x3FA8] =	sst s4  }
0xd: {  	[smem:$0x3FA9] =	sst s5  }
0xe: {  	[smem:$0x3FAA] =	sst s6  }
0xf: {  	[smem:$0x3FAB] =	sst s7  }
0x10: {  	[smem:$0x3FAC] =	sst s8  }
0x11: {  	[smem:$0x3FAD] =	sst s9;
	s0 =	simm.s32 @!p0 $0x0  }
0x12: {  	s1 =	sld [smem:$0x3F93];
	s0 =	simm.s32 @p0 $0x1  }
0x13: {  	[smem:$0x3FAE] =	sst s0;
	s0 =	simm.s32 @!p1 $0x0  }
0x14: {  	s2 =	sld [smem:$0x3F92];
	s0 =	simm.s32 @p1 $0x1  }
0x15: {  	[smem:$0x3FAF] =	sst s0;
	s0 =	simm.s32 @!p2 $0x0  }
0x16: {  	s3 =	sld [smem:$0x3FDB];
	s0 =	simm.s32 @p2 $0x1  }
0x17: {  	s4 =	simm.s32 $0x1BF5;
	[smem:$0x3FB1] =	sst s0  }
0x18: {  	s0 =	sld [smem:$0x3F94];
	_ =	swait.ge [sflag:s4], $0x0  }
0x19: {  	s7 =	sld [smem:$0x3F95]  }
0x1a: {  	s8 =	sadd.s32 $0xFFFFE003, lr  }
0x1b: {  	s9 =	sadd.s32 $0xFFFFFEF7, lr;
	s5 =	simm.s32 $0xFFFFFFFF;
	p2 =	slt.u32 s8, $0xFFFFF086  }
0x1c: {  	p1 =	slt.u32 s9, $0xF7A;
	s5 =	simm.s32 @!p2 $0x0  }
0x1d: {  	s5 =	simm.s32 @p1 $0x1;
	p0 =	seq.s32 s7, s2  }
0x1e: {  	s7 =	smul.u32 @!p0 $0xF7A, s2;
	p2 =	seq.s32 @!p0 s5, $0x0  }
0x1f: {  	s9 =	smul.u32 $0xF7A, s1;
	s8 =	simm.s32 @!p0 $0x1BF5;
	p2 =	por !p2, p0  }
0x20: {  	[sflag:s8] =	ssyncset.s32 @!p0 $0xFFFFF086;
	s6 =	sadd.s32 @!p0 s3, s7;
	s7 =	simm.s32 @!p0 $0x108  }
0x21: {  	s3 =	sadd.s32 s3, s9;
	s6 =	sadd.s32 @!p0 $0x88, s6;
	s7 =	simm.s32 @p2 $0x1082  }
0x22: {  	[simem:s7], [sflag:s8] =	dma.local @!p0 [hbm:s6], $0xF7A  }
0x23: {  	s9 =	sor.u32 $0xD0000000, s2;
	s6 =	simm.s32 $0x108;
	_ =	swait.ge @!p0 [sflag:s8], $0x0  }
0x24: {  	s3 =	sadd.s32 $0x88, s3;
	s6 =	simm.s32 @!p1 $0x1082;
	[sflag:s4] =	ssyncset.s32 $0xFFFFF086  }
0x25: {  	[simem:s6], [sflag:s4] =	dma.local [hbm:s3], $0xF7A  }
0x26: {  	[smem:$0x3F95] =	sst s1;
	(tag) =	ssettag s2;
	_ =	strace s9  }
0x27: {  	s1 =	sld [smem:$0x3FA5]  }
0x28: {  	s2 =	sld [smem:$0x3FA6]  }
0x29: {  	s4 =	sld [smem:$0x3FA8]  }
0x2a: {  	p0 =	seq.s32 s5, $0x0;
	s5 =	sld [smem:$0x3FA9]  }
0x2b: {  	s6 =	sld [smem:$0x3FAA]  }
0x2c: {  	s7 =	sld [smem:$0x3FAB]  }
0x2d: {  	s3 =	simm.s32 $0x108;
	s8 =	sld [smem:$0x3FAC]  }
0x2e: {  	s3 =	simm.s32 @!p0 $0x1082;
	s9 =	sld [smem:$0x3FAD]  }
0x2f: {  	lr =	sadd.s32 s0, s3;
	s0 =	sld [smem:$0x3FA4]  }
0x30: {  	s3 =	sld [smem:$0x3FA7]  }
0x31: {  	[smem:$0x3FB0] =	sst s10  }
0x32: {  	s10 =	sld [smem:$0x3FAE];
	_ =	sdelay $0x3  }
0x33: {  	p0 =	seq.s32 s10, $0x1;
	s10 =	sld [smem:$0x3FB0];
	_ =	sdelay $0x3  }
0x34: {  	[smem:$0x3FB0] =	sst s10  }
0x35: {  	s10 =	sld [smem:$0x3FAF];
	_ =	sdelay $0x3  }
0x36: {  	p1 =	seq.s32 s10, $0x1;
	s10 =	sld [smem:$0x3FB0];
	_ =	sdelay $0x3  }
0x37: {  	[smem:$0x3FB0] =	sst s10  }
0x38: {  	s10 =	sld [smem:$0x3FB1]  }
0x39: {  	_ = 	snop;
	(pc) =	sbr.ind lr, $3  }
0x3a: {  	_ = 	snop  }
0x3b: {  	_ = 	snop  }
0x3c: {  	p2 =	seq.s32 s10, $0x1;
	s10 =	sld [smem:$0x3FB0]  }
0x3d: {  	_ =	shalt  }
0x3e: {  	_ =	shalt  }
0x3f: {  	_ =	shalt  }
0x40: {  	_ =	shalt  }
0x41: {  	_ =	shalt  }
0x42: {  	_ =	shalt  }
0x43: {  	_ =	shalt  }
0x44: {  	_ =	shalt  }
0x45: {  	_ =	shalt  }
0x46: {  	_ =	shalt  }
0x47: {  	_ =	shalt  }
0x48: {  	_ =	shalt  }
0x49: {  	_ =	shalt  }
0x4a: {  	_ =	shalt  }
0x4b: {  	_ =	shalt  }
0x4c: {  	_ =	shalt  }
0x4d: {  	_ =	shalt  }
0x4e: {  	_ =	shalt  }
0x4f: {  	_ =	shalt  }
0x50: {  	_ =	shalt  }
0x51: {  	_ =	shalt  }
0x52: {  	_ =	shalt  }
0x53: {  	_ =	shalt  }
0x54: {  	_ =	shalt  }
0x55: {  	_ =	shalt  }
0x56: {  	_ =	shalt  }
0x57: {  	_ =	shalt  }
0x58: {  	_ =	shalt  }
0x59: {  	_ =	shalt  }
0x5a: {  	_ =	shalt  }
0x5b: {  	_ =	shalt  }
0x5c: {  	_ =	shalt  }
0x5d: {  	_ =	shalt  }
0x5e: {  	_ =	shalt  }
0x5f: {  	_ =	shalt  }
0x60: {  	_ =	shalt  }
0x61: {  	_ =	shalt  }
0x62: {  	_ =	shalt  }
0x63: {  	_ =	shalt  }
0x64: {  	_ =	shalt  }
0x65: {  	_ =	shalt  }
0x66: {  	_ =	shalt  }
0x67: {  	_ =	shalt  }
0x68: {  	_ =	shalt  }
0x69: {  	_ =	shalt  }
0x6a: {  	_ =	shalt  }
0x6b: {  	_ =	shalt  }
0x6c: {  	_ =	shalt  }
0x6d: {  	_ =	shalt  }
0x6e: {  	_ =	shalt  }
0x6f: {  	_ =	shalt  }
0x70: {  	_ =	shalt  }
0x71: {  	_ =	shalt  }
0x72: {  	_ =	shalt  }
0x73: {  	_ =	shalt  }
0x74: {  	_ =	shalt  }
0x75: {  	_ =	shalt  }
0x76: {  	_ =	shalt  }
0x77: {  	_ =	shalt  }
0x78: {  	_ =	shalt  }
0x79: {  	_ =	shalt  }
0x7a: {  	_ =	shalt  }
0x7b: {  	_ =	shalt  }
0x7c: {  	_ =	shalt  }
0x7d: {  	_ =	shalt  }
0x7e: {  	_ =	shalt  }
0x7f: {  	_ =	shalt  }
0x80: {  	_ =	shalt  }
0x81: {  	_ =	shalt  }
0x82: {  	_ =	shalt  }
0x83: {  	_ =	shalt  }
0x84: {  	_ =	shalt  }
0x85: {  	_ =	shalt  }
0x86: {  	_ =	shalt  }
0x87: {  	_ =	shalt  }
.Lfunc_end0:
.L_simem_size_0:
called_computation_lowered:
.L_overlay_start_0:
0x88: {  	s2 =	sld [smem:$0x3FD9]  }
0x89: {  	s3 =	sld [smem:$0x3FFE];
	_ =	sdelay $0x1  }
0x8a: {  	s1 =	srdreg.scid  }
0x8b: {  	s0 =	sand.u32 $0x1, s1  }
0x8c: {  	s17 =	sshll.u32 s0, $0xA;
	s2 =	sadd.s32 s3, s2  }
0x8d: {  	s2 =	sadd.s32 s2, s17  }
0x8e: {  	[smem:$0x3FBC] =	sst s2  }
0x8f: {  	_ = 	snop  }
0x90: {  	s2 =	sld [smem:$0x3FC9]  }
0x91: {  	s18 =	sld [smem:$0x3FC7];
	(tm) =	ssettm $0x1  }
0x92: {  	s4 =	sld [smem:$0x3FFB];
	_ =	sdelay $0x3  }
0x93: {  	_ =	strace s4  }
0x94: {  	s4 =	sld [smem:$0x3FFC];
	_ =	sdelay $0x3  }
0x95: {  	_ =	strace s4  }
0x96: {  	s4 =	sld [smem:$0x3FFD];
	_ =	sdelay $0x3  }
0x97: {  	_ =	strace s4  }
0x98: {  	_ =	strace $0x8FFFFFFF  }
0x99: {  	s19 =	sld [smem:$0x3FDB];
	_ =	sdelay $0x1  }
0x9a: {  	s5 =	simm.s32 $_scs_section_size  }
0x9b: {  	s6 =	simm.s32 $_size__tile_overlayer_lowered;
	s7 =	simm.s32 $_tile_overlayer_lowered  }
0x9c: {  	s22 =	simm.s32 $0x1BFF;
	s21 =	sshll.u32 s7, $0x1;
	s4 =	sadd.s32 s5, s19  }
0x9d: {  	s8 =	simm.s32 $0x0;
	s20 =	sshll.u32 s6, $0x1;
	s6 =	sadd.s32 s21, s4  }
0x9e: {  	[timem:s8], [sflag:s22] =	dma.local [hbm:s6], s20  }
0x9f: {  	_ =	swait.ge [sflag:s22], s20  }
0xa0: {  	s5 =	ssub.s32 $0x0, s20;
	[sflag:s22] =	ssyncset.done $0x0  }
0xa1: {  	[sflag:s22] =	ssyncadd.s32 s5;
	_ =	sdelay $0x1  }
0xa2: {  	s23 =	simm.s32 $0x1B8B  }
0xa3: {  	_ =	swait.ge [sflag:s23], $0x1  }
0xa4: {  	[sflag:s23] =	ssyncset.done $0x0  }
0xa5: {  	s25 =	simm.s32 $0x1B8E;
	s24 =	sld [smem:$0x3FFE];
	[sflag:s23] =	ssyncadd.s32 $0xFFFFFFFF  }
0xa6: {  	s26 =	simm.s32 $execute0_lowered;
	[smem:$0x3FD2] =	sst s25  }
0xa7: {  	s6 =	sshll.u32 s26, $0x1;
	_ =	strace $0x80000046;
	[dreg:$0x1] =	wrdreg $0xFFFFFFFF  }
0xa8: {  	s28 =	simm.s32 $_size_execute0_lowered;
	s4 =	sadd.s32 s4, s6;
	[dreg:$0x0] =	wrdreg $0x0  }
0xa9: {  	s6 =	sshll.u32 s28, $0x1;
	[dreg:$0x2] =	wrdreg s4  }
0xaa: {  	[dreg:$0x3] =	wrdreg s6  }
0xab: {  	[dreg:$0x4] =	wrdreg $0xC0  }
0xac: {  	_ =	task [dreg:s8], $0x5FFFF  }
0xad: {  	[dreg:$0x1] =	wrdreg $0xFFFFFFFF  }
0xae: {  	[dreg:$0x0] =	wrdreg $0x60  }
0xaf: {  	[dreg:$0x2] =	wrdreg s18  }
0xb0: {  	[dreg:$0x3] =	wrdreg s2  }
0xb1: {  	[dreg:$0x4] =	wrdreg s24  }
0xb2: {  	[dreg:$0x5] =	wrdreg $0x9  }
0xb3: {  	_ =	task.clear_ibuf [dreg:s8], $0x6FFFF;
	_ =	strace $0x90000046  }
0xb4: {  	s29 =	simm.s32 $0x9;
	_ =	strace $0x80000048  }
0xb5: {  	_ =	swait.ge [sflag:s29], $0x1  }
0xb6: {  	[sflag:s29] =	ssyncadd.s32 $0xFFFFFFFF  }
0xb7: {  	_ =	strace $0x90000048  }
0xb8: {  	_ =	sfence  }
0xb9: {  	s30 =	sld [smem:$0x0];
	_ =	sdelay $0x2  }
0xba: {  	s31 =	sshll.u32 s1, $0xD;
	s1 =	sshrl.u32 s1, $0x2  }
0xbb: {  	s3 =	sand.u32 $0x4000, s31;
	s1 =	sadd.s32 s1, s30  }
0xbc: {  	s0 =	sor.u32 s3, s0;
	s1 =	sshll.u32 s1, $0x11  }
0xbd: {  	s0 =	sor.u32 s1, s0  }
0xbe: {  	s0 =	sadd.s32 $0x8F2B, s0  }
0xbf: {  	[sflag:s0] =	ssyncadd.remote.s32 $0x1  }
0xc0: {  	_ =	sfence.sel $0xFFFF  }
0xc1: {  	[dreg:$0x0] =	wrdreg $0xFFFFFFFF;
	(pc) =	sbr.abs _section_cstart, $3  }
0xc2: {  	[dreg:$0x1] =	wrdreg $0xFFFFFFFF  }
0xc3: {  	_ =	task.clear_ibuf [dreg:s8], $0x2FFFF;
	_ =	strace $0x9FFFFFFF  }
0xc4: {  	(tm) =	ssettm $0x7FFFFFFF  }
0xc5: {  	_ =	shalt  }
tec
execute0_lowered:
.L_overlay_start_1:
0x0: {  	(tag) =	ssettag $0x1  }
0x1: {  	s1 =	rddreg [dreg:$0x0]  }
0x2: {  	s2 =	rddreg [dreg:$0x1]  }
0x3: {  	s8 =	rddreg [dreg:$0x2]  }
0x4: {  	s0 =	rddreg [dreg:$0x3];
	s5 =	srdreg.scid  }
0x5: {  	s4 =	simm.s32 $0x0;
	s3 =	stileid.u32;
	s10 =	simm.s32 $0x80  }
0x6: {  	s11 =	simm.s32 $0x400;
	s12 =	simm.s32 $0x18700;
	s13 =	simm.s32 $0x3  }
0x7: {  	s14 =	simm.s32 $0x2;
	s15 =	simm.s32 $0x1A700;
	s16 =	simm.s32 $0x1C700  }
0x8: {  	s17 =	simm.s32 $0x1;
	s18 =	simm.s32 $0x0;
	s5 =	sand.u32 $0x1, s5  }
0x9: {  	[smem:$0x7FF] =	sst s4;
	s7 =	sshll.u32 s3, $0x1;
	s6 =	ssub.s32 $0x2, s5  }
0xa: {  	_ =	strace $0x80000047;
	s7 =	sor.u32 s5, s7;
	s9 =	sshrl.u32 s6, $0x1  }
0xb: {  	s5 =	sadd.s32 $0x1600, s8;
	s8 =	sadd.s32 $0x3600, s8;
	s9 =	ssub.s32 s6, s9  }
0xc: {  	s6 =	smul.u32 $0xD, s7;
	s7 =	sadd.s32 $0x2000, s2;
	s9 =	smax.u32 s9, $0x1  }
.LBB2_1:
0xd: {  	s19 =	simm.s32 $0x0  }
.LBB2_2:
0xe: {  	s21 =	sadd.s32 s6, s19  }
0xf: {  	s22 =	sshll.u32 s21, $0x7  }
0x10: {  	s23 =	sand.u32 $0x70, s21;
	s20 =	sand.u32 $0xFFFC000, s22  }
0x11: {  	s21 =	sshrl.u32 s21, $0x3;
	s20 =	sor.u32 s23, s20  }
0x12: {  	s31 =	smul.u32 $0xC3800, s21;
	s22 =	sand.u32 $0x380, s22;
	s23 =	sadd.s32 s2, s20  }
0x13: {  	[tilespmem:s12], [sflag:$0x2] =	stream.strided.gather [hbm4b:s23+s10], $0x2000, s11, s10, $0x38;
	[tilespmem:$0x1E700] =	vst v63  }
0x14: {  	s23 =	sor.u32 s22, s31  }
0x15: {  	s23 =	sshrl.u32 s23, $0x3  }
0x16: {  	s23 =	sadd.s32 s1, s23  }
0x17: {  	[tilespmem:s4], [sflag:$0x3] =	stream.strided.gather [hbm4b:s23+s10], $0x18700, s11, s10, $0x38;
	[tilespmem:$0x1E700] =	vst v63  }
0x18: {  	_ =	swait.ge [sflag:s13], $0x18700  }
0x19: {  	[sflag:s13] =	ssyncset.done $0x0  }
0x1a: {  	[sflag:s13] =	ssyncadd.s32 $0xFFFE7900  }
0x1b: {  	_ =	swait.ge [sflag:s14], $0x2000  }
0x1c: {  	p0 =	seq.s32 s19, $0x0;
	[sflag:s14] =	ssyncset.done $0x0  }
0x1d: {  	s23 =	simm.s32 @!p0 $0x1;
	[sflag:s14] =	ssyncadd.s32 $0xFFFFE000  }
0x1e: {  	_ =	swait.ge @!p0 [sflag:s23], $0x2000  }
0x1f: {  	[sflag:s23] =	ssyncset.done @!p0 $0x0  }
0x20: {  	[sflag:s23] =	ssyncadd.s32 @!p0 $0xFFFFE000  }
0x21: {  	_ =	swait.ge @!p0 [sflag:s23], $0x2000  }
0x22: {  	[sflag:s23] =	ssyncset.done @!p0 $0x0  }
0x23: {  	[sflag:s23] =	ssyncadd.s32 @!p0 $0xFFFFE000;
	s23 =	simm.s32 $0x0  }
0x24: {  	v0 =	vld [tilespmem:s23+$0x18700];
	_ =	sdelay $0x5  }
0x25: {  	v1 =	vld [tilespmem:s23+$0x18710];
	_ =	sdelay $0x1  }
0x26: {  	v0 =	vld.idx.msk [tilespmem:v0+s4+$0x0], $0xffff;
	_ =	sdelay $0x4  }
0x27: {  	v2 =	vld [tilespmem:s23+$0x18720];
	[tilespmem:s23+$0x1A700] =	vst v0  }
0x28: {  	v0 =	vld.idx.msk [tilespmem:v1+s4+$0x0], $0xffff;
	_ =	sdelay $0x4  }
0x29: {  	[tilespmem:s23+$0x1A710] =	vst v0;
	v0 =	vld [tilespmem:s23+$0x18730];
	_ =	sdelay $0x1  }
0x2a: {  	v1 =	vld.idx.msk [tilespmem:v2+s4+$0x0], $0xffff;
	_ =	sdelay $0x3  }
0x2b: {  	s25 =	simm.s32 $0x40;
	s24 =	simm.s32 $0x200  }
.LBB2_3:
0x2c: {  	p0 =	sne.s32 s24, $0x7F00;
	v2 =	vld [tilespmem:s25+$0x18700];
	[tilespmem:s23+$0x1A720] =	vst v1  }
0x2d: {  	v0 =	vld.idx.msk [tilespmem:v0+s4+$0x0], $0xffff;
	_ =	sdelay $0x5  }
0x2e: {  	v1 =	vld [tilespmem:s25+$0x18710];
	[tilespmem:s23+$0x1A730] =	vst v0;
	s23 =	smov.u32 s25  }
0x2f: {  	v0 =	vld.idx.msk [tilespmem:v2+s4+$0x0], $0xffff;
	_ =	sdelay $0x5  }
0x30: {  	[tilespmem:s23+$0x1A700] =	vst v0;
	v2 =	vld [tilespmem:s23+$0x18720]  }
0x31: {  	v0 =	vld.idx.msk [tilespmem:v1+s4+$0x0], $0xffff;
	_ =	sdelay $0x5  }
0x32: {  	[tilespmem:s23+$0x1A710] =	vst v0;
	v0 =	vld [tilespmem:s23+$0x18730]  }
0x33: {  	v1 =	vld.idx.msk [tilespmem:v2+s4+$0x0], $0xffff  }
.Ltmp0:
0x34: {  	(pc) =	sbr.rel @p0 .LBB2_3-.Ltmp0, $2  }
0x35: {  	_ =	sdelay $0x2  }
0x36: {  	s25 =	sshra.s32 s24, $0x2;
	s24 =	sadd.s32 $0x100, s24  }
0x37: {  	_ =	sdelay $0x1  }
0x38: {  	v2 =	vld [tilespmem:s25+$0x18700]  }
0x39: {  	[tilespmem:s23+$0x1A720] =	vst v1  }
0x3a: {  	v0 =	vld.idx.msk [tilespmem:v0+s4+$0x0], $0xffff;
	_ =	sdelay $0x3  }
0x3b: {  	v1 =	vld [tilespmem:s25+$0x18710]  }
0x3c: {  	[tilespmem:s23+$0x1A730] =	vst v0  }
0x3d: {  	v0 =	vld.idx.msk [tilespmem:v2+s4+$0x0], $0xffff;
	_ =	sdelay $0x4  }
0x3e: {  	[tilespmem:s25+$0x1A700] =	vst v0;
	v0 =	vld [tilespmem:s25+$0x18720]  }
0x3f: {  	v1 =	vld.idx.msk [tilespmem:v1+s4+$0x0], $0xffff;
	_ =	sdelay $0x4  }
0x40: {  	[tilespmem:s25+$0x1A710] =	vst v1;
	v1 =	vld [tilespmem:s25+$0x18730];
	_ =	sdelay $0x1  }
0x41: {  	v0 =	vld.idx.msk [tilespmem:v0+s4+$0x0], $0xffff;
	_ =	sdelay $0x4  }
0x42: {  	[tilespmem:s25+$0x1A720] =	vst v0  }
0x43: {  	v0 =	vld.idx.msk [tilespmem:v1+s4+$0x0], $0xffff;
	_ =	sdelay $0x1  }
0x44: {  	s21 =	sshll.u32 s21, $0x11  }
0x45: {  	s21 =	sor.u32 s22, s21  }
0x46: {  	s21 =	sshrl.u32 s21, $0x3  }
0x47: {  	s31 =	sadd.s32 s5, s21;
	[tilespmem:s25+$0x1A730] =	vst v0  }
0x48: {  	[hbm4b:s31+s10] =	stream.strided.scatter [tilespmem:s15], [sflag:$0x1], $0x2000, s11, s10, $0x38;
	[tilespmem:$0x1E700] =	vst v63  }
0x49: {  	s20 =	sadd.s32 s20, s7  }
0x4a: {  	[tilespmem:s12], [sflag:$0x3] =	stream.strided.gather [hbm4b:s20+s10], $0x2000, s11, s10, $0x38;
	[tilespmem:$0x1E700] =	vst v63  }
0x4b: {  	_ =	swait.ge [sflag:s13], $0x2000  }
0x4c: {  	[sflag:s13] =	ssyncset.done $0x0  }
0x4d: {  	s20 =	simm.s32 $0x0;
	[sflag:s13] =	ssyncadd.s32 $0xFFFFE000  }
0x4e: {  	v0 =	vld [tilespmem:s20+$0x18700];
	_ =	sdelay $0x5  }
0x4f: {  	v1 =	vld [tilespmem:s20+$0x18710];
	_ =	sdelay $0x1  }
0x50: {  	v0 =	vld.idx.msk [tilespmem:v0+s4+$0x0], $0xffff;
	_ =	sdelay $0x4  }
0x51: {  	v2 =	vld [tilespmem:s20+$0x18720];
	[tilespmem:s20+$0x1C700] =	vst v0  }
0x52: {  	v0 =	vld.idx.msk [tilespmem:v1+s4+$0x0], $0xffff;
	_ =	sdelay $0x4  }
0x53: {  	[tilespmem:s20+$0x1C710] =	vst v0;
	v0 =	vld [tilespmem:s20+$0x18730];
	_ =	sdelay $0x1  }
0x54: {  	v1 =	vld.idx.msk [tilespmem:v2+s4+$0x0], $0xffff;
	_ =	sdelay $0x3  }
0x55: {  	s22 =	simm.s32 $0x200;
	s23 =	simm.s32 $0x40  }
.LBB2_5:
0x56: {  	p0 =	sne.s32 s22, $0x7F00;
	v2 =	vld [tilespmem:s23+$0x18700];
	[tilespmem:s20+$0x1C720] =	vst v1  }
0x57: {  	v0 =	vld.idx.msk [tilespmem:v0+s4+$0x0], $0xffff;
	_ =	sdelay $0x5  }
0x58: {  	v1 =	vld [tilespmem:s23+$0x18710];
	[tilespmem:s20+$0x1C730] =	vst v0;
	s20 =	smov.u32 s23  }
0x59: {  	v0 =	vld.idx.msk [tilespmem:v2+s4+$0x0], $0xffff;
	_ =	sdelay $0x5  }
0x5a: {  	[tilespmem:s20+$0x1C700] =	vst v0;
	v2 =	vld [tilespmem:s20+$0x18720]  }
0x5b: {  	v0 =	vld.idx.msk [tilespmem:v1+s4+$0x0], $0xffff;
	_ =	sdelay $0x5  }
0x5c: {  	[tilespmem:s20+$0x1C710] =	vst v0;
	v0 =	vld [tilespmem:s20+$0x18730]  }
0x5d: {  	v1 =	vld.idx.msk [tilespmem:v2+s4+$0x0], $0xffff  }
.Ltmp1:
0x5e: {  	(pc) =	sbr.rel @p0 .LBB2_5-.Ltmp1, $2  }
0x5f: {  	_ =	sdelay $0x2  }
0x60: {  	s23 =	sshra.s32 s22, $0x2;
	s22 =	sadd.s32 $0x100, s22  }
0x61: {  	_ =	sdelay $0x1  }
0x62: {  	v2 =	vld [tilespmem:s23+$0x18700]  }
0x63: {  	[tilespmem:s20+$0x1C720] =	vst v1  }
0x64: {  	v0 =	vld.idx.msk [tilespmem:v0+s4+$0x0], $0xffff;
	_ =	sdelay $0x3  }
0x65: {  	v1 =	vld [tilespmem:s23+$0x18710]  }
0x66: {  	[tilespmem:s20+$0x1C730] =	vst v0  }
0x67: {  	v0 =	vld.idx.msk [tilespmem:v2+s4+$0x0], $0xffff;
	_ =	sdelay $0x3  }
0x68: {  	v62 =	vld [tilespmem:s23+$0x18720]  }
0x69: {  	[tilespmem:s23+$0x1C700] =	vst v0  }
0x6a: {  	v1 =	vld.idx.msk [tilespmem:v1+s4+$0x0], $0xffff;
	_ =	sdelay $0x3  }
0x6b: {  	v63 =	vld [tilespmem:s23+$0x18730]  }
0x6c: {  	[tilespmem:s23+$0x1C710] =	vst v1  }
0x6d: {  	v0 =	vld.idx.msk [tilespmem:v62+s4+$0x0], $0xffff;
	_ =	sdelay $0x4  }
0x6e: {  	[tilespmem:s23+$0x1C720] =	vst v0  }
0x6f: {  	s19 =	sadd.s32 $0x1, s19;
	v0 =	vld.idx.msk [tilespmem:v63+s4+$0x0], $0xffff  }
0x70: {  	p0 =	sne.s32 s19, $0xD  }
.Ltmp2:
0x71: {  	_ = 	snop;
	(pc) =	sbr.rel @p0 .LBB2_2-.Ltmp2, $3  }
0x72: {  	_ =	sdelay $0x1  }
0x73: {  	s31 =	sadd.s32 s21, s8;
	[tilespmem:s23+$0x1C730] =	vst v0  }
0x74: {  	[hbm4b:s31+s10] =	stream.strided.scatter [tilespmem:s16], [sflag:$0x1], $0x2000, s11, s10, $0x38;
	[tilespmem:$0x1E700] =	vst v63  }
0x75: {  	s18 =	sadd.s32 $0x1, s18  }
0x76: {  	_ =	swait.ge [sflag:s17], $0x2000;
	p0 =	sne.s32 s18, s9  }
.Ltmp3:
0x77: {  	[sflag:s17] =	ssyncset.done $0x0;
	(pc) =	sbr.rel @p0 .LBB2_1-.Ltmp3, $4  }
0x78: {  	[sflag:s17] =	ssyncadd.s32 $0xFFFFE000  }
0x79: {  	_ =	swait.ge [sflag:s17], $0x2000  }
0x7a: {  	[sflag:s17] =	ssyncset.done $0x0  }
0x7b: {  	[sflag:s17] =	ssyncadd.s32 $0xFFFFE000  }
0x7c: {  	_ =	sfence.sel $0x180000  }
0x7d: {  	[bflag:$0x0] =	sbarrier.arrive $0xFFFF  }
0x7e: {  	p0 =	sne.s32 s3, $0x0;
	_ =	strace $0x90000047  }
0x7f: {  	s0 =	sadd.s32 @!p0 $0x100000, s0;
	[bflag:$0x2] =	sbarrier.arrive $0xFFFF  }
0x80: {  	[sflag:s0] =	ssyncadd.tile.s32 @!p0 $0x1;
	_ =	shalt  }
.Lfunc_end2:
_tile_overlayer_lowered:
.L_overlay_start_2:
0x81: {  	(tag) =	ssettag $0x2  }
0x82: {  	s0 =	rddreg [dreg:$0x0];
	s2 =	stileid.u32  }
0x83: {  	s1 =	rddreg [dreg:$0x1];
	p0 =	sne.s32 s2, $0x0  }
0x84: {  	s3 =	rddreg [dreg:$0x2];
	[bflag:$0x3] =	sbarrier.arrive $0xFFFF;
	s2 =	simm.s32 @!p0 $0x1C03  }
0x85: {  	[timem:s3], [sflag:s2] =	dma.local @!p0 [hbm:s0], s1  }
0x86: {  	s0 =	simm.s32 @!p0 $0x3  }
0x87: {  	_ =	swait.ge @!p0 [sflag:s0], s1  }
0x88: {  	s1 =	ssub.s32 @!p0 $0x0, s1;
	[sflag:s0] =	ssyncset.done @!p0 $0x0  }
0x89: {  	[sflag:s0] =	ssyncadd.s32 @!p0 s1  }
0x8a: {  	[bflag:$0x3] =	sbarrier.arrive $0xFFFF  }
0x8b: {  	_ =	shalt  }

// kernel: kernel.8.cloned.1.call-start
scs
__scs_entry_jumppad:
0x0: {  	(pc) =	sbr.rel $0x88, $3  }
0x1: {  	(tag) =	ssettag $0x0;
	lr =	simm.s32 $0x1  }
0x2: {  	[smem:$0x3F95] =	sst lr;
	_ =	strace $0xD0000000  }
0x3: {  	_ = 	snop  }
0x4: {  	_ = 	snop  }
0x5: {  	_ = 	snop  }
0x6: {  	_ = 	snop  }
0x7: {  	_ = 	snop  }
__scs_overlays_trampoline_lowered:
0x8: {  	[smem:$0x3FA4] =	sst s0  }
0x9: {  	[smem:$0x3FA5] =	sst s1  }
0xa: {  	[smem:$0x3FA6] =	sst s2  }
0xb: {  	[smem:$0x3FA7] =	sst s3  }
0xc: {  	[smem:$0x3FA8] =	sst s4  }
0xd: {  	[smem:$0x3FA9] =	sst s5  }
0xe: {  	[smem:$0x3FAA] =	sst s6  }
0xf: {  	[smem:$0x3FAB] =	sst s7  }
0x10: {  	[smem:$0x3FAC] =	sst s8  }
0x11: {  	[smem:$0x3FAD] =	sst s9;
	s0 =	simm.s32 @!p0 $0x0  }
0x12: {  	s1 =	sld [smem:$0x3F93];
	s0 =	simm.s32 @p0 $0x1  }
0x13: {  	[smem:$0x3FAE] =	sst s0;
	s0 =	simm.s32 @!p1 $0x0  }
0x14: {  	s2 =	sld [smem:$0x3F92];
	s0 =	simm.s32 @p1 $0x1  }
0x15: {  	[smem:$0x3FAF] =	sst s0;
	s0 =	simm.s32 @!p2 $0x0  }
0x16: {  	s3 =	sld [smem:$0x3FDB];
	s0 =	simm.s32 @p2 $0x1  }
0x17: {  	s4 =	simm.s32 $0x1BF5;
	[smem:$0x3FB1] =	sst s0  }
0x18: {  	s0 =	sld [smem:$0x3F94];
	_ =	swait.ge [sflag:s4], $0x0  }
0x19: {  	s7 =	sld [smem:$0x3F95]  }
0x1a: {  	s8 =	sadd.s32 $0xFFFFE003, lr  }
0x1b: {  	s9 =	sadd.s32 $0xFFFFFEF7, lr;
	s5 =	simm.s32 $0xFFFFFFFF;
	p2 =	slt.u32 s8, $0xFFFFF086  }
0x1c: {  	p1 =	slt.u32 s9, $0xF7A;
	s5 =	simm.s32 @!p2 $0x0  }
0x1d: {  	s5 =	simm.s32 @p1 $0x1;
	p0 =	seq.s32 s7, s2  }
0x1e: {  	s7 =	smul.u32 @!p0 $0xF7A, s2;
	p2 =	seq.s32 @!p0 s5, $0x0  }
0x1f: {  	s9 =	smul.u32 $0xF7A, s1;
	s8 =	simm.s32 @!p0 $0x1BF5;
	p2 =	por !p2, p0  }
0x20: {  	[sflag:s8] =	ssyncset.s32 @!p0 $0xFFFFF086;
	s6 =	sadd.s32 @!p0 s3, s7;
	s7 =	simm.s32 @!p0 $0x108  }
0x21: {  	s3 =	sadd.s32 s3, s9;
	s6 =	sadd.s32 @!p0 $0x88, s6;
	s7 =	simm.s32 @p2 $0x1082  }
0x22: {  	[simem:s7], [sflag:s8] =	dma.local @!p0 [hbm:s6], $0xF7A  }
0x23: {  	s9 =	sor.u32 $0xD0000000, s2;
	s6 =	simm.s32 $0x108;
	_ =	swait.ge @!p0 [sflag:s8], $0x0  }
0x24: {  	s3 =	sadd.s32 $0x88, s3;
	s6 =	simm.s32 @!p1 $0x1082;
	[sflag:s4] =	ssyncset.s32 $0xFFFFF086  }
0x25: {  	[simem:s6], [sflag:s4] =	dma.local [hbm:s3], $0xF7A  }
0x26: {  	[smem:$0x3F95] =	sst s1;
	(tag) =	ssettag s2;
	_ =	strace s9  }
0x27: {  	s1 =	sld [smem:$0x3FA5]  }
0x28: {  	s2 =	sld [smem:$0x3FA6]  }
0x29: {  	s4 =	sld [smem:$0x3FA8]  }
0x2a: {  	p0 =	seq.s32 s5, $0x0;
	s5 =	sld [smem:$0x3FA9]  }
0x2b: {  	s6 =	sld [smem:$0x3FAA]  }
0x2c: {  	s7 =	sld [smem:$0x3FAB]  }
0x2d: {  	s3 =	simm.s32 $0x108;
	s8 =	sld [smem:$0x3FAC]  }
0x2e: {  	s3 =	simm.s32 @!p0 $0x1082;
	s9 =	sld [smem:$0x3FAD]  }
0x2f: {  	lr =	sadd.s32 s0, s3;
	s0 =	sld [smem:$0x3FA4]  }
0x30: {  	s3 =	sld [smem:$0x3FA7]  }
0x31: {  	[smem:$0x3FB0] =	sst s10  }
0x32: {  	s10 =	sld [smem:$0x3FAE];
	_ =	sdelay $0x3  }
0x33: {  	p0 =	seq.s32 s10, $0x1;
	s10 =	sld [smem:$0x3FB0];
	_ =	sdelay $0x3  }
0x34: {  	[smem:$0x3FB0] =	sst s10  }
0x35: {  	s10 =	sld [smem:$0x3FAF];
	_ =	sdelay $0x3  }
0x36: {  	p1 =	seq.s32 s10, $0x1;
	s10 =	sld [smem:$0x3FB0];
	_ =	sdelay $0x3  }
0x37: {  	[smem:$0x3FB0] =	sst s10  }
0x38: {  	s10 =	sld [smem:$0x3FB1]  }
0x39: {  	_ = 	snop;
	(pc) =	sbr.ind lr, $3  }
0x3a: {  	_ = 	snop  }
0x3b: {  	_ = 	snop  }
0x3c: {  	p2 =	seq.s32 s10, $0x1;
	s10 =	sld [smem:$0x3FB0]  }
0x3d: {  	_ =	shalt  }
0x3e: {  	_ =	shalt  }
0x3f: {  	_ =	shalt  }
0x40: {  	_ =	shalt  }
0x41: {  	_ =	shalt  }
0x42: {  	_ =	shalt  }
0x43: {  	_ =	shalt  }
0x44: {  	_ =	shalt  }
0x45: {  	_ =	shalt  }
0x46: {  	_ =	shalt  }
0x47: {  	_ =	shalt  }
0x48: {  	_ =	shalt  }
0x49: {  	_ =	shalt  }
0x4a: {  	_ =	shalt  }
0x4b: {  	_ =	shalt  }
0x4c: {  	_ =	shalt  }
0x4d: {  	_ =	shalt  }
0x4e: {  	_ =	shalt  }
0x4f: {  	_ =	shalt  }
0x50: {  	_ =	shalt  }
0x51: {  	_ =	shalt  }
0x52: {  	_ =	shalt  }
0x53: {  	_ =	shalt  }
0x54: {  	_ =	shalt  }
0x55: {  	_ =	shalt  }
0x56: {  	_ =	shalt  }
0x57: {  	_ =	shalt  }
0x58: {  	_ =	shalt  }
0x59: {  	_ =	shalt  }
0x5a: {  	_ =	shalt  }
0x5b: {  	_ =	shalt  }
0x5c: {  	_ =	shalt  }
0x5d: {  	_ =	shalt  }
0x5e: {  	_ =	shalt  }
0x5f: {  	_ =	shalt  }
0x60: {  	_ =	shalt  }
0x61: {  	_ =	shalt  }
0x62: {  	_ =	shalt  }
0x63: {  	_ =	shalt  }
0x64: {  	_ =	shalt  }
0x65: {  	_ =	shalt  }
0x66: {  	_ =	shalt  }
0x67: {  	_ =	shalt  }
0x68: {  	_ =	shalt  }
0x69: {  	_ =	shalt  }
0x6a: {  	_ =	shalt  }
0x6b: {  	_ =	shalt  }
0x6c: {  	_ =	shalt  }
0x6d: {  	_ =	shalt  }
0x6e: {  	_ =	shalt  }
0x6f: {  	_ =	shalt  }
0x70: {  	_ =	shalt  }
0x71: {  	_ =	shalt  }
0x72: {  	_ =	shalt  }
0x73: {  	_ =	shalt  }
0x74: {  	_ =	shalt  }
0x75: {  	_ =	shalt  }
0x76: {  	_ =	shalt  }
0x77: {  	_ =	shalt  }
0x78: {  	_ =	shalt  }
0x79: {  	_ =	shalt  }
0x7a: {  	_ =	shalt  }
0x7b: {  	_ =	shalt  }
0x7c: {  	_ =	shalt  }
0x7d: {  	_ =	shalt  }
0x7e: {  	_ =	shalt  }
0x7f: {  	_ =	shalt  }
0x80: {  	_ =	shalt  }
0x81: {  	_ =	shalt  }
0x82: {  	_ =	shalt  }
0x83: {  	_ =	shalt  }
0x84: {  	_ =	shalt  }
0x85: {  	_ =	shalt  }
0x86: {  	_ =	shalt  }
0x87: {  	_ =	shalt  }
.Lfunc_end0:
.L_simem_size_0:
called_computation.1_lowered:
.L_overlay_start_0:
0x88: {  	s2 =	sld [smem:$0x3FD9]  }
0x89: {  	s3 =	sld [smem:$0x3FFE];
	_ =	sdelay $0x1  }
0x8a: {  	s1 =	srdreg.scid  }
0x8b: {  	s0 =	sand.u32 $0x1, s1  }
0x8c: {  	s16 =	sshll.u32 s0, $0xA;
	s2 =	sadd.s32 s3, s2  }
0x8d: {  	s2 =	sadd.s32 s2, s16  }
0x8e: {  	[smem:$0x3FBC] =	sst s2  }
0x8f: {  	_ = 	snop  }
0x90: {  	(tm) =	ssettm $0x1  }
0x91: {  	s17 =	sld [smem:$0x3FFB];
	_ =	sdelay $0x3  }
0x92: {  	_ =	strace s17  }
0x93: {  	s2 =	sld [smem:$0x3FFC];
	_ =	sdelay $0x3  }
0x94: {  	_ =	strace s2  }
0x95: {  	s2 =	sld [smem:$0x3FFD];
	_ =	sdelay $0x3  }
0x96: {  	_ =	strace s2  }
0x97: {  	_ =	strace $0x8FFFFFFF  }
0x98: {  	s18 =	sld [smem:$0x3FDB];
	_ =	sdelay $0x1  }
0x99: {  	s19 =	simm.s32 $_scs_section_size  }
0x9a: {  	s4 =	simm.s32 $_size__tile_overlayer_lowered;
	s5 =	simm.s32 $_tile_overlayer_lowered  }
0x9b: {  	s22 =	simm.s32 $0x1BFF;
	s21 =	sshll.u32 s5, $0x1;
	s2 =	sadd.s32 s19, s18  }
0x9c: {  	s6 =	simm.s32 $0x0;
	s20 =	sshll.u32 s4, $0x1;
	s4 =	sadd.s32 s21, s2  }
0x9d: {  	[timem:s6], [sflag:s22] =	dma.local [hbm:s4], s20  }
0x9e: {  	_ =	swait.ge [sflag:s22], s20  }
0x9f: {  	s3 =	ssub.s32 $0x0, s20;
	[sflag:s22] =	ssyncset.done $0x0  }
0xa0: {  	[sflag:s22] =	ssyncadd.s32 s3;
	_ =	sdelay $0x1  }
0xa1: {  	s23 =	simm.s32 $0x1B8B  }
0xa2: {  	_ =	swait.ge [sflag:s23], $0x1  }
0xa3: {  	[sflag:s23] =	ssyncset.done $0x0  }
0xa4: {  	s25 =	simm.s32 $0x1B8E;
	s24 =	sld [smem:$0x3FFE];
	[sflag:s23] =	ssyncadd.s32 $0xFFFFFFFF  }
0xa5: {  	s26 =	simm.s32 $execute0_lowered;
	[smem:$0x3FD2] =	sst s25  }
0xa6: {  	s4 =	sshll.u32 s26, $0x1;
	_ =	strace $0x80000049;
	[dreg:$0x1] =	wrdreg $0xFFFFFFFF  }
0xa7: {  	s28 =	simm.s32 $_size_execute0_lowered;
	s2 =	sadd.s32 s2, s4;
	[dreg:$0x0] =	wrdreg $0x0  }
0xa8: {  	s4 =	sshll.u32 s28, $0x1;
	[dreg:$0x2] =	wrdreg s2  }
0xa9: {  	[dreg:$0x3] =	wrdreg s4  }
0xaa: {  	[dreg:$0x4] =	wrdreg $0xC0  }
0xab: {  	_ =	task [dreg:s6], $0x5FFFF  }
0xac: {  	[dreg:$0x1] =	wrdreg $0xFFFFFFFF  }
0xad: {  	[dreg:$0x0] =	wrdreg $0x60  }
0xae: {  	[dreg:$0x2] =	wrdreg s24  }
0xaf: {  	[dreg:$0x3] =	wrdreg $0x9  }
0xb0: {  	_ =	task.clear_ibuf [dreg:s6], $0x4FFFF;
	_ =	strace $0x90000049  }
0xb1: {  	s29 =	simm.s32 $0x9;
	_ =	strace $0x8000004B  }
0xb2: {  	_ =	swait.ge [sflag:s29], $0x1  }
0xb3: {  	[sflag:s29] =	ssyncadd.s32 $0xFFFFFFFF  }
0xb4: {  	_ =	strace $0x9000004B  }
0xb5: {  	_ =	sfence  }
0xb6: {  	s30 =	sld [smem:$0x0];
	_ =	sdelay $0x2  }
0xb7: {  	s31 =	sshll.u32 s1, $0xD;
	s1 =	sshrl.u32 s1, $0x2  }
0xb8: {  	s3 =	sand.u32 $0x4000, s31;
	s1 =	sadd.s32 s1, s30  }
0xb9: {  	s0 =	sor.u32 s3, s0;
	s1 =	sshll.u32 s1, $0x11  }
0xba: {  	s0 =	sor.u32 s1, s0  }
0xbb: {  	s0 =	sadd.s32 $0x8F2B, s0  }
0xbc: {  	[sflag:s0] =	ssyncadd.remote.s32 $0x1  }
0xbd: {  	_ =	sfence.sel $0xFFFF  }
0xbe: {  	[dreg:$0x0] =	wrdreg $0xFFFFFFFF;
	(pc) =	sbr.abs _section_cstart, $3  }
0xbf: {  	[dreg:$0x1] =	wrdreg $0xFFFFFFFF  }
0xc0: {  	_ =	task.clear_ibuf [dreg:s6], $0x2FFFF;
	_ =	strace $0x9FFFFFFF  }
0xc1: {  	(tm) =	ssettm $0x7FFFFFFF  }
tec
execute0_lowered:
.L_overlay_start_1:
0x0: {  	(tag) =	ssettag $0x1  }
0x1: {  	s1 =	stileid.u32  }
0x2: {  	p0 =	sgt.u32 s1, $0xC  }
.Ltmp0:
0x3: {  	_ = 	snop;
	(pc) =	sbr.rel @p0 .LBB2_7-.Ltmp0, $4  }
0x4: {  	_ = 	snop  }
0x5: {  	s3 =	rddreg [dreg:$0x0];
	s2 =	simm.s32 $0x0  }
0x6: {  	[smem:$0x7FF] =	sst s2  }
0x7: {  	s0 =	rddreg [dreg:$0x1];
	_ =	strace $0x8000004A  }
0x8: {  	s4 =	srdreg.scid;
	s5 =	sshll.u32 s1, $0x1  }
0x9: {  	s6 =	sadd.s32 $0xD1600, s3;
	s8 =	sadd.s32 $0x120C00, s3;
	s4 =	sand.u32 $0x1, s4  }
0xa: {  	s9 =	sadd.s32 $0x12DC00, s3;
	s5 =	sor.u32 s4, s5;
	s4 =	ssub.s32 $0x2, s4  }
0xb: {  	s7 =	smul.u32 $0x30D4, s5;
	s10 =	sshll.u32 s5, $0xB;
	s30 =	sshrl.u32 s4, $0x1  }
0xc: {  	s12 =	simm.s32 $0x0;
	s31 =	ssub.s32 s4, s30;
	s11 =	sor.u32 $0x400, s10  }
0xd: {  	s3 =	sadd.s32 s6, s7;
	s4 =	sadd.s32 s9, s11;
	s5 =	smax.u32 s31, $0x1  }
0xe: {  	s6 =	sadd.s32 s8, s10;
	s7 =	sadd.s32 s9, s10;
	s8 =	sadd.s32 s8, s11  }
0xf: {  	s9 =	simm.s32 $0x1;
	s10 =	simm.s32 $0x186A0;
	s11 =	simm.s32 $0x1A6A0  }
.LBB2_2:
0x10: {  	s13 =	simm.s32 $0x0  }
0x11: {  	[tilespmem:s13], [sflag:$0x1] =	stream.linear.gather [hbm4b:s3+s13], $0x186A0, $0x38;
	[tilespmem:$0x1C6A0] =	vst v63  }
0x12: {  	_ =	swait.ge [sflag:s9], $0x186A0  }
0x13: {  	[sflag:s9] =	ssyncset.done $0x0  }
0x14: {  	[sflag:s9] =	ssyncadd.s32 $0xFFFE7960  }
0x15: {  	[tilespmem:s10], [sflag:$0x1] =	stream.linear.gather [hbm4b:s6+s13], $0x2000, $0x38;
	[tilespmem:$0x1C6A0] =	vst v63  }
0x16: {  	_ =	swait.ge [sflag:s9], $0x2000  }
0x17: {  	[sflag:s9] =	ssyncset.done $0x0  }
0x18: {  	s13 =	simm.s32 $0x0;
	[sflag:s9] =	ssyncadd.s32 $0xFFFFE000  }
0x19: {  	v0 =	vld [tilespmem:s13+$0x186A0];
	_ =	sdelay $0x7  }
0x1a: {  	s14 =	simm.s32 $0x10;
	s15 =	simm.s32 $0x80;
	v0 =	vld.idx.msk [tilespmem:v0+s2+$0x0], $0xffff  }
.LBB2_3:
0x1b: {  	p0 =	sne.s32 s15, $0x7FC0;
	v1 =	vld [tilespmem:s14+$0x186A0];
	_ =	sdelay $0x3  }
.Ltmp1:
0x1c: {  	(pc) =	sbr.rel @p0 .LBB2_3-.Ltmp1, $2  }
0x1d: {  	[tilespmem:s13+$0x1A6A0] =	vst v0;
	s13 =	smov.u32 s14;
	_ =	sdelay $0x2  }
0x1e: {  	s14 =	sshra.s32 s15, $0x2;
	s15 =	sadd.s32 $0x40, s15;
	v0 =	vld.idx.msk [tilespmem:v1+s2+$0x0], $0xffff  }
0x1f: {  	v1 =	vld [tilespmem:s14+$0x186A0];
	_ =	sdelay $0x6  }
0x20: {  	[tilespmem:s13+$0x1A6A0] =	vst v0  }
0x21: {  	v0 =	vld.idx.msk [tilespmem:v1+s2+$0x0], $0xffff;
	_ =	sdelay $0x4  }
0x22: {  	s31 =	simm.s32 $0x0;
	[tilespmem:s14+$0x1A6A0] =	vst v0  }
0x23: {  	[hbm4b:s7+s31] =	stream.linear.scatter [tilespmem:s11], [sflag:$0x1], $0x2000, $0x38;
	[tilespmem:$0x1C6A0] =	vst v63  }
0x24: {  	_ =	swait.ge [sflag:s9], $0x2000  }
0x25: {  	[sflag:s9] =	ssyncset.done $0x0  }
0x26: {  	[sflag:s9] =	ssyncadd.s32 $0xFFFFE000  }
0x27: {  	[tilespmem:s10], [sflag:$0x1] =	stream.linear.gather [hbm4b:s8+s31], $0x2000, $0x38;
	[tilespmem:$0x1C6A0] =	vst v63  }
0x28: {  	_ =	swait.ge [sflag:s9], $0x2000  }
0x29: {  	[sflag:s9] =	ssyncset.done $0x0  }
0x2a: {  	s13 =	simm.s32 $0x0;
	[sflag:s9] =	ssyncadd.s32 $0xFFFFE000  }
0x2b: {  	v0 =	vld [tilespmem:s13+$0x186A0];
	_ =	sdelay $0x7  }
0x2c: {  	s15 =	simm.s32 $0x80;
	s14 =	simm.s32 $0x10;
	v0 =	vld.idx.msk [tilespmem:v0+s2+$0x0], $0xffff  }
.LBB2_5:
0x2d: {  	p0 =	sne.s32 s15, $0x7FC0;
	v1 =	vld [tilespmem:s14+$0x186A0];
	_ =	sdelay $0x3  }
.Ltmp2:
0x2e: {  	(pc) =	sbr.rel @p0 .LBB2_5-.Ltmp2, $2  }
0x2f: {  	[tilespmem:s13+$0x1A6A0] =	vst v0;
	s13 =	smov.u32 s14;
	_ =	sdelay $0x2  }
0x30: {  	s14 =	sshra.s32 s15, $0x2;
	s15 =	sadd.s32 $0x40, s15;
	v0 =	vld.idx.msk [tilespmem:v1+s2+$0x0], $0xffff  }
0x31: {  	v1 =	vld [tilespmem:s14+$0x186A0];
	_ =	sdelay $0x6  }
0x32: {  	[tilespmem:s13+$0x1A6A0] =	vst v0  }
0x33: {  	v0 =	vld.idx.msk [tilespmem:v1+s2+$0x0], $0xffff;
	_ =	sdelay $0x2  }
0x34: {  	s12 =	sadd.s32 $0x1, s12  }
0x35: {  	p0 =	sne.s32 s12, s5  }
.Ltmp3:
0x36: {  	[tilespmem:s14+$0x1A6A0] =	vst v0;
	(pc) =	sbr.rel @p0 .LBB2_2-.Ltmp3, $4  }
0x37: {  	[hbm4b:s4+s2] =	stream.linear.scatter [tilespmem:s11], [sflag:$0x1], $0x2000, $0x38;
	[tilespmem:$0x1C6A0] =	vst v63  }
0x38: {  	_ =	swait.ge [sflag:s9], $0x2000  }
0x39: {  	[sflag:s9] =	ssyncset.done $0x0  }
0x3a: {  	[sflag:s9] =	ssyncadd.s32 $0xFFFFE000  }
.LBB2_7:
0x3b: {  	_ =	sfence.sel $0x180000  }
0x3c: {  	[bflag:$0x0] =	sbarrier.arrive $0xFFFF  }
0x3d: {  	p0 =	sne.s32 s1, $0x0;
	_ =	strace $0x9000004A  }
0x3e: {  	s0 =	sadd.s32 @!p0 $0x100000, s0;
	[bflag:$0x2] =	sbarrier.arrive $0xFFFF  }
0x3f: {  	[sflag:s0] =	ssyncadd.tile.s32 @!p0 $0x1;
	_ =	shalt  }
.Lfunc_end2:
_tile_overlayer_lowered:
.L_overlay_start_2:
0x40: {  	(tag) =	ssettag $0x2  }
0x41: {  	s0 =	rddreg [dreg:$0x0];
	s2 =	stileid.u32  }
0x42: {  	s1 =	rddreg [dreg:$0x1];
	p0 =	sne.s32 s2, $0x0  }
0x43: {  	s3 =	rddreg [dreg:$0x2];
	[bflag:$0x3] =	sbarrier.arrive $0xFFFF;
	s2 =	simm.s32 @!p0 $0x1C01  }
0x44: {  	[timem:s3], [sflag:s2] =	dma.local @!p0 [hbm:s0], s1  }
0x45: {  	s0 =	simm.s32 @!p0 $0x1  }
0x46: {  	_ =	swait.ge @!p0 [sflag:s0], s1  }
0x47: {  	s1 =	ssub.s32 @!p0 $0x0, s1;
	[sflag:s0] =	ssyncset.done @!p0 $0x0  }
0x48: {  	[sflag:s0] =	ssyncadd.s32 @!p0 s1  }
0x49: {  	[bflag:$0x3] =	sbarrier.arrive $0xFFFF  }
0x4a: {  	_ =	shalt  }

</sc_bundles>
